<compile_context>
chip_gen: v7x
topology: tpu7x:2x2x1
jax: 0.10.2.dev20260603
libtpu: 0.0.44.dev20260713+nightly
codegen_flags: <defaults>
</compile_context>

<pallas_src>
import functools

import jax
import jax.numpy as jnp
from jax import lax
from jax.experimental import pallas as pl
from jax.experimental.pallas import tpu as pltpu
from jax.experimental.pallas import tpu_sc as plsc

_NUM_SLOTS = 8


def _make_sc_gather(num_classes, feat, batch):
    rows_per_worker = batch // _NUM_SLOTS
    info = plsc.get_sparse_core_info()
    num_cores = info.num_cores
    mesh = plsc.VectorSubcoreMesh(core_axis_name="c", subcore_axis_name="s")

    @functools.partial(
        pl.kernel,
        mesh=mesh,
        out_type=[
            jax.ShapeDtypeStruct((batch, feat), jnp.float32),
            jax.ShapeDtypeStruct((batch, feat), jnp.float32),
        ],
        scratch_types=[
            pltpu.VMEM((rows_per_worker,), jnp.int32),
            pltpu.VMEM((rows_per_worker, feat), jnp.float32),
            pltpu.SemaphoreType.DMA,
        ],
    )
    def gather_kernel(gamma_hbm, beta_hbm, labels_hbm, g_out, b_out,
                      idx_v, rows_v, sem):
        wid = lax.axis_index("s") * num_cores + lax.axis_index("c")
        base = lax.rem(wid, _NUM_SLOTS) * rows_per_worker

        @pl.when(wid < _NUM_SLOTS)
        def _gamma():
            pltpu.sync_copy(labels_hbm.at[pl.ds(base, rows_per_worker)], idx_v)
            pltpu.async_copy(gamma_hbm.at[idx_v], rows_v, sem).wait()
            pltpu.sync_copy(rows_v, g_out.at[pl.ds(base, rows_per_worker)])

        @pl.when((wid >= _NUM_SLOTS) & (wid < 2 * _NUM_SLOTS))
        def _beta():
            pltpu.sync_copy(labels_hbm.at[pl.ds(base, rows_per_worker)], idx_v)
            pltpu.async_copy(beta_hbm.at[idx_v], rows_v, sem).wait()
            pltpu.sync_copy(rows_v, b_out.at[pl.ds(base, rows_per_worker)])

    return gather_kernel


_K = 8
_WSPLIT = 2


def _make_ring_body(w, nchunk):
    ws = w // _WSPLIT

    def body(x_hbm, g_ref, b_ref, o_hbm, ibufs, obufs, isems, osems):
        def in_copy(c, j):
            hi = lax.div(c, _WSPLIT)
            wi = lax.rem(c, _WSPLIT) * ws
            return pltpu.make_async_copy(
                x_hbm.at[hi, pl.ds(wi, ws)], ibufs.at[j], isems.at[j])

        def out_copy(c, j):
            hi = lax.div(c, _WSPLIT)
            wi = lax.rem(c, _WSPLIT) * ws
            return pltpu.make_async_copy(
                obufs.at[j], o_hbm.at[hi, pl.ds(wi, ws)], osems.at[j])

        for j in range(_K):
            in_copy(j, j).start()

        def step(c, carry):
            j = lax.rem(c, _K)

            @pl.when(c >= _K)
            def _():
                out_copy(c - _K, j).wait()

            in_copy(c, j).wait()
            obufs[j] = ibufs[j] * g_ref[...] + b_ref[...]
            out_copy(c, j).start()

            @pl.when(c + _K < nchunk)
            def _():
                in_copy(c + _K, j).start()

            return carry

        lax.fori_loop(0, nchunk, step, 0)
        for c in range(nchunk - _K, nchunk):
            out_copy(c, c % _K).wait()

    return body


def kernel(x, class_labels, gamma, beta):
    batch, h, w, feat = x.shape
    labels = jnp.reshape(class_labels, (batch,))

    g_rows, b_rows = _make_sc_gather(gamma.shape[0], feat, batch)(
        gamma, beta, labels)

    xt = jnp.transpose(x, (1, 2, 0, 3))

    nchunk = h * _WSPLIT
    ws = w // _WSPLIT
    buf = pltpu.VMEM((_K, ws, batch, feat), jnp.float32)
    out_t = pl.pallas_call(
        _make_ring_body(w, nchunk),
        in_specs=[
            pl.BlockSpec(memory_space=pl.ANY),
            pl.BlockSpec((batch, feat), lambda: (0, 0)),
            pl.BlockSpec((batch, feat), lambda: (0, 0)),
        ],
        out_specs=pl.BlockSpec(memory_space=pl.ANY),
        out_shape=jax.ShapeDtypeStruct((h, w, batch, feat), jnp.float32),
        compiler_params=pltpu.CompilerParams(
            vmem_limit_bytes=48 * 1024 * 1024),
        scratch_shapes=[buf, buf,
                        pltpu.SemaphoreType.DMA((_K,)),
                        pltpu.SemaphoreType.DMA((_K,))],
    )(xt, g_rows, b_rows)

    return jnp.transpose(out_t, (2, 0, 1, 3))

# --- scband reference (transcript-rebuilt; emitter-appended) ---
"""Pipeline reference for scband-conditional-center-scale-11965778886855 (READ-ONLY COPY).

The authoritative reference and input builder live on the scoring server;
editing this copy changes nothing except your own understanding.
"""

import jax, jax.numpy as jnp
import numpy as np

NUM_CLASSES = 1000
B, H, W, C = 64, 14, 14, 768


def setup_inputs(seed: int = 0) -> dict:
    key = jax.random.key(seed)
    k1, k2 = jax.random.split(key)
    x = jax.random.normal(k1, (B, H, W, C), dtype=jnp.float32)
    class_labels = jax.random.randint(k2, (B, 1), 0, NUM_CLASSES, dtype=jnp.int32)
    # Learned parameters, sized per build(): shape = (number_of_classes, input_shape[0][axis])
    gamma = jnp.ones((NUM_CLASSES, C), dtype=jnp.float32)  # gamma_initializer='ones'
    beta = jnp.zeros((NUM_CLASSES, C), dtype=jnp.float32)  # beta_initializer='zeros'
    return {"x": x, "class_labels": class_labels, "gamma": gamma, "beta": beta}


def reference(x, class_labels, gamma, beta):
    # class_labels: [B, 1] -> squeeze axis=1 -> [B]
    labels = jnp.squeeze(class_labels, axis=1)
    # broadcast_shape: [B, 1, 1, C] (axis=-1 => channel dim kept, batch dim kept)
    broadcast_shape = (x.shape[0], 1, 1, x.shape[-1])
    normed = x
    # scale: gather per-sample gamma rows, reshape for broadcast, multiply
    broadcast_gamma = jnp.take(gamma, labels, axis=0).reshape(broadcast_shape)
    normed = normed * broadcast_gamma
    # center: gather per-sample beta rows, reshape for broadcast, add
    broadcast_beta = jnp.take(beta, labels, axis=0).reshape(broadcast_shape)
    normed = normed + broadcast_beta
    return normed

if __name__ == "__main__":
    import jax
    _d = setup_inputs()
    print(jax.jit(kernel)(*tuple(_d.values())))

</pallas_src>

<mosaic_0001>
#map = affine_map<(d0, d1) -> (0, 0)>
#map1 = affine_map<(d0, d1) -> (0)>
module attributes {stable_mosaic.version = 14 : i64} {
  func.func @gather_kernel(%arg0: i32, %arg1: i32, %arg2: memref<1000x768xf32, #tpu.memory_space<hbm>>, %arg3: memref<1000x768xf32, #tpu.memory_space<hbm>>, %arg4: memref<64xi32, #tpu.memory_space<hbm>>, %arg5: memref<64x768xf32, #tpu.memory_space<hbm>>, %arg6: memref<64x768xf32, #tpu.memory_space<hbm>>, %arg7: memref<8xi32, #tpu.memory_space<vmem>>, %arg8: memref<8x768xf32, #tpu.memory_space<vmem>>, %arg9: memref<!tpu.dma_semaphore, #tpu.memory_space<semaphore_mem>>) attributes {dimension_semantics = [#tpu.dimension_semantics<core_parallel>, #tpu.dimension_semantics<subcore_parallel>], iteration_bounds = array<i64: 2, 16>, scalar_prefetch = 0 : i64, scratch_operands = 3 : i64, tpu.core_type = #tpu.core_type<sc_vector_subcore>, window_params = [{transform_indices = #map}, {transform_indices = #map}, {transform_indices = #map1}, {transform_indices = #map}, {transform_indices = #map}]} {
    %mul3A = arith.constant 2 : i32
    %mul3A_0 = arith.muli %arg1, %mul3A : i32
    %add3A = arith.addi %mul3A_0, %arg0 : i32
    %rem3A = arith.constant 8 : i32
    %rem3A_1 = arith.remsi %add3A, %rem3A : i32
    %mul3A_2 = arith.constant 8 : i32
    %mul3A_3 = arith.muli %rem3A_1, %mul3A_2 : i32
    %lt3A = arith.constant 8 : i32
    %lt3A_4 = arith.cmpi slt, %add3A, %lt3A : i32
    %convert_element_type3A = arith.extui %lt3A_4 : i1 to i32
    %cond3A = arith.constant 0 : i32
    %cond3A_5 = arith.cmpi ne, %convert_element_type3A, %cond3A : i32
    scf.if %cond3A_5 {
      "tpu.region"() ({
        %run_scoped3A = tpu.sem_alloc : memref<!tpu.dma_semaphore, #tpu.memory_space<semaphore_mem>>
        %dma_start3A_16 = tpu.memref_slice %arg4[%mul3A_3] : memref<64xi32, #tpu.memory_space<hbm>> -> memref<8xi32, #tpu.memory_space<hbm>>
        %dma_start3A_17 = tpu.memref_slice %arg4[%mul3A_3] : memref<64xi32, #tpu.memory_space<hbm>> -> memref<8xi32, #tpu.memory_space<hbm>>
        tpu.enqueue_dma source(%dma_start3A_17 : memref<8xi32, #tpu.memory_space<hbm>>) target(%arg7 : memref<8xi32, #tpu.memory_space<vmem>>) target_semaphore(%run_scoped3A : memref<!tpu.dma_semaphore, #tpu.memory_space<semaphore_mem>>)
        %dma_wait3A_18 = tpu.memref_slice %arg4[%mul3A_3] : memref<64xi32, #tpu.memory_space<hbm>> -> memref<8xi32, #tpu.memory_space<hbm>>
        %dma_wait3A_19 = tpu.memref_slice %arg4[%mul3A_3] : memref<64xi32, #tpu.memory_space<hbm>> -> memref<8xi32, #tpu.memory_space<hbm>>
        tpu.wait_dma2 semaphore(%run_scoped3A : memref<!tpu.dma_semaphore, #tpu.memory_space<semaphore_mem>>) src(%dma_wait3A_19 : memref<8xi32, #tpu.memory_space<hbm>>) dst(%arg7 : memref<8xi32, #tpu.memory_space<vmem>>)
        tpu.yield
      }) : () -> ()
      %dma_start3A = arith.constant 0 : i32
      %dma_start3A_12 = arith.constant 0 : i32
      %dma_start3A_13 = tpu.memref_slice %arg2[%dma_start3A, %dma_start3A_12] : memref<1000x768xf32, #tpu.memory_space<hbm>> -> memref<1000x768xf32, #tpu.memory_space<hbm>>
      tpu.enqueue_indirect_dma source(%dma_start3A_13 : memref<1000x768xf32, #tpu.memory_space<hbm>>) target(%arg8 : memref<8x768xf32, #tpu.memory_space<vmem>>) offsets(%arg7 : memref<8xi32, #tpu.memory_space<vmem>>) semaphore(%arg9 : memref<!tpu.dma_semaphore, #tpu.memory_space<semaphore_mem>>)
      %dma_wait3A = arith.constant 0 : i32
      %dma_wait3A_14 = arith.constant 0 : i32
      %dma_wait3A_15 = tpu.memref_slice %arg2[%dma_wait3A, %dma_wait3A_14] : memref<1000x768xf32, #tpu.memory_space<hbm>> -> memref<1000x768xf32, #tpu.memory_space<hbm>>
      tpu.wait_indirect_dma semaphore(%arg9 : memref<!tpu.dma_semaphore, #tpu.memory_space<semaphore_mem>>) src(%dma_wait3A_15 : memref<1000x768xf32, #tpu.memory_space<hbm>>) dst(%arg8 : memref<8x768xf32, #tpu.memory_space<vmem>>)
      "tpu.region"() ({
        %run_scoped3A = tpu.sem_alloc : memref<!tpu.dma_semaphore, #tpu.memory_space<semaphore_mem>>
        %dma_start3A_16 = arith.constant 0 : i32
        %dma_start3A_17 = tpu.memref_slice %arg5[%mul3A_3, %dma_start3A_16] : memref<64x768xf32, #tpu.memory_space<hbm>> -> memref<8x768xf32, #tpu.memory_space<hbm>>
        %dma_start3A_18 = arith.constant 0 : i32
        %dma_start3A_19 = tpu.memref_slice %arg5[%mul3A_3, %dma_start3A_18] : memref<64x768xf32, #tpu.memory_space<hbm>> -> memref<8x768xf32, #tpu.memory_space<hbm>>
        tpu.enqueue_dma source(%arg8 : memref<8x768xf32, #tpu.memory_space<vmem>>) target(%dma_start3A_19 : memref<8x768xf32, #tpu.memory_space<hbm>>) target_semaphore(%run_scoped3A : memref<!tpu.dma_semaphore, #tpu.memory_space<semaphore_mem>>)
        %dma_wait3A_20 = arith.constant 0 : i32
        %dma_wait3A_21 = tpu.memref_slice %arg5[%mul3A_3, %dma_wait3A_20] : memref<64x768xf32, #tpu.memory_space<hbm>> -> memref<8x768xf32, #tpu.memory_space<hbm>>
        %dma_wait3A_22 = arith.constant 0 : i32
        %dma_wait3A_23 = tpu.memref_slice %arg5[%mul3A_3, %dma_wait3A_22] : memref<64x768xf32, #tpu.memory_space<hbm>> -> memref<8x768xf32, #tpu.memory_space<hbm>>
        tpu.wait_dma2 semaphore(%run_scoped3A : memref<!tpu.dma_semaphore, #tpu.memory_space<semaphore_mem>>) src(%arg8 : memref<8x768xf32, #tpu.memory_space<vmem>>) dst(%dma_wait3A_23 : memref<8x768xf32, #tpu.memory_space<hbm>>)
        tpu.yield
      }) : () -> ()
    } else {
    }
    %ge3A = arith.constant 8 : i32
    %ge3A_6 = arith.cmpi sge, %add3A, %ge3A : i32
    %lt3A_7 = arith.constant 16 : i32
    %lt3A_8 = arith.cmpi slt, %add3A, %lt3A_7 : i32
    %and3A = arith.andi %ge3A_6, %lt3A_8 : i1
    %convert_element_type3A_9 = arith.extui %and3A : i1 to i32
    %cond3A_10 = arith.constant 0 : i32
    %cond3A_11 = arith.cmpi ne, %convert_element_type3A_9, %cond3A_10 : i32
    scf.if %cond3A_11 {
      "tpu.region"() ({
        %run_scoped3A = tpu.sem_alloc : memref<!tpu.dma_semaphore, #tpu.memory_space<semaphore_mem>>
        %dma_start3A_16 = tpu.memref_slice %arg4[%mul3A_3] : memref<64xi32, #tpu.memory_space<hbm>> -> memref<8xi32, #tpu.memory_space<hbm>>
        %dma_start3A_17 = tpu.memref_slice %arg4[%mul3A_3] : memref<64xi32, #tpu.memory_space<hbm>> -> memref<8xi32, #tpu.memory_space<hbm>>
        tpu.enqueue_dma source(%dma_start3A_17 : memref<8xi32, #tpu.memory_space<hbm>>) target(%arg7 : memref<8xi32, #tpu.memory_space<vmem>>) target_semaphore(%run_scoped3A : memref<!tpu.dma_semaphore, #tpu.memory_space<semaphore_mem>>)
        %dma_wait3A_18 = tpu.memref_slice %arg4[%mul3A_3] : memref<64xi32, #tpu.memory_space<hbm>> -> memref<8xi32, #tpu.memory_space<hbm>>
        %dma_wait3A_19 = tpu.memref_slice %arg4[%mul3A_3] : memref<64xi32, #tpu.memory_space<hbm>> -> memref<8xi32, #tpu.memory_space<hbm>>
        tpu.wait_dma2 semaphore(%run_scoped3A : memref<!tpu.dma_semaphore, #tpu.memory_space<semaphore_mem>>) src(%dma_wait3A_19 : memref<8xi32, #tpu.memory_space<hbm>>) dst(%arg7 : memref<8xi32, #tpu.memory_space<vmem>>)
        tpu.yield
      }) : () -> ()
      %dma_start3A = arith.constant 0 : i32
      %dma_start3A_12 = arith.constant 0 : i32
      %dma_start3A_13 = tpu.memref_slice %arg3[%dma_start3A, %dma_start3A_12] : memref<1000x768xf32, #tpu.memory_space<hbm>> -> memref<1000x768xf32, #tpu.memory_space<hbm>>
      tpu.enqueue_indirect_dma source(%dma_start3A_13 : memref<1000x768xf32, #tpu.memory_space<hbm>>) target(%arg8 : memref<8x768xf32, #tpu.memory_space<vmem>>) offsets(%arg7 : memref<8xi32, #tpu.memory_space<vmem>>) semaphore(%arg9 : memref<!tpu.dma_semaphore, #tpu.memory_space<semaphore_mem>>)
      %dma_wait3A = arith.constant 0 : i32
      %dma_wait3A_14 = arith.constant 0 : i32
      %dma_wait3A_15 = tpu.memref_slice %arg3[%dma_wait3A, %dma_wait3A_14] : memref<1000x768xf32, #tpu.memory_space<hbm>> -> memref<1000x768xf32, #tpu.memory_space<hbm>>
      tpu.wait_indirect_dma semaphore(%arg9 : memref<!tpu.dma_semaphore, #tpu.memory_space<semaphore_mem>>) src(%dma_wait3A_15 : memref<1000x768xf32, #tpu.memory_space<hbm>>) dst(%arg8 : memref<8x768xf32, #tpu.memory_space<vmem>>)
      "tpu.region"() ({
        %run_scoped3A = tpu.sem_alloc : memref<!tpu.dma_semaphore, #tpu.memory_space<semaphore_mem>>
        %dma_start3A_16 = arith.constant 0 : i32
        %dma_start3A_17 = tpu.memref_slice %arg6[%mul3A_3, %dma_start3A_16] : memref<64x768xf32, #tpu.memory_space<hbm>> -> memref<8x768xf32, #tpu.memory_space<hbm>>
        %dma_start3A_18 = arith.constant 0 : i32
        %dma_start3A_19 = tpu.memref_slice %arg6[%mul3A_3, %dma_start3A_18] : memref<64x768xf32, #tpu.memory_space<hbm>> -> memref<8x768xf32, #tpu.memory_space<hbm>>
        tpu.enqueue_dma source(%arg8 : memref<8x768xf32, #tpu.memory_space<vmem>>) target(%dma_start3A_19 : memref<8x768xf32, #tpu.memory_space<hbm>>) target_semaphore(%run_scoped3A : memref<!tpu.dma_semaphore, #tpu.memory_space<semaphore_mem>>)
        %dma_wait3A_20 = arith.constant 0 : i32
        %dma_wait3A_21 = tpu.memref_slice %arg6[%mul3A_3, %dma_wait3A_20] : memref<64x768xf32, #tpu.memory_space<hbm>> -> memref<8x768xf32, #tpu.memory_space<hbm>>
        %dma_wait3A_22 = arith.constant 0 : i32
        %dma_wait3A_23 = tpu.memref_slice %arg6[%mul3A_3, %dma_wait3A_22] : memref<64x768xf32, #tpu.memory_space<hbm>> -> memref<8x768xf32, #tpu.memory_space<hbm>>
        tpu.wait_dma2 semaphore(%run_scoped3A : memref<!tpu.dma_semaphore, #tpu.memory_space<semaphore_mem>>) src(%arg8 : memref<8x768xf32, #tpu.memory_space<vmem>>) dst(%dma_wait3A_23 : memref<8x768xf32, #tpu.memory_space<hbm>>)
        tpu.yield
      }) : () -> ()
    } else {
    }
    return
  }
}

module attributes {stable_mosaic.version = 14 : i64} {
  func.func @body(%arg0: memref<14x14x64x768xf32, #tpu.memory_space<any>>, %arg1: memref<64x768xf32, #tpu.memory_space<vmem>>, %arg2: memref<64x768xf32, #tpu.memory_space<vmem>>, %arg3: memref<14x14x64x768xf32, #tpu.memory_space<any>>, %arg4: memref<8x7x64x768xf32, #tpu.memory_space<vmem>>, %arg5: memref<8x7x64x768xf32, #tpu.memory_space<vmem>>, %arg6: memref<8x!tpu.dma_semaphore, #tpu.memory_space<semaphore_mem>>, %arg7: memref<8x!tpu.dma_semaphore, #tpu.memory_space<semaphore_mem>>) attributes {dimension_semantics = [], scalar_prefetch = 0 : i64, scratch_operands = 4 : i64, tpu.core_type = #tpu.core_type<tc>} {
    %div3A = arith.constant 0 : i32
    %div3A_0 = arith.constant 2 : i32
    %div3A_1 = arith.divsi %div3A, %div3A_0 : i32
    %rem3A = arith.constant 0 : i32
    %rem3A_2 = arith.constant 2 : i32
    %rem3A_3 = arith.remsi %rem3A, %rem3A_2 : i32
    %mul3A = arith.constant 7 : i32
    %mul3A_4 = arith.muli %rem3A_3, %mul3A : i32
    %dma_start3A = arith.constant 0 : i32
    %dma_start3A_5 = arith.constant 0 : i32
    %dma_start3A_6 = tpu.memref_slice %arg6[%dma_start3A_5] : memref<8x!tpu.dma_semaphore, #tpu.memory_space<semaphore_mem>> -> memref<1x!tpu.dma_semaphore, #tpu.memory_space<semaphore_mem>>
    %dma_start3A_7 = tpu.memref_squeeze %dma_start3A_6 : memref<1x!tpu.dma_semaphore, #tpu.memory_space<semaphore_mem>> -> memref<!tpu.dma_semaphore, #tpu.memory_space<semaphore_mem>>
    %dma_start3A_8 = arith.constant 0 : i32
    %dma_start3A_9 = arith.constant 0 : i32
    %dma_start3A_10 = arith.constant 0 : i32
    %dma_start3A_11 = tpu.memref_slice %arg4[%dma_start3A, %dma_start3A_8, %dma_start3A_9, %dma_start3A_10] : memref<8x7x64x768xf32, #tpu.memory_space<vmem>> -> memref<1x7x64x768xf32, #tpu.memory_space<vmem>>
    %dma_start3A_12 = tpu.memref_squeeze %dma_start3A_11 : memref<1x7x64x768xf32, #tpu.memory_space<vmem>> -> memref<7x64x768xf32, #tpu.memory_space<vmem>>
    %dma_start3A_13 = arith.constant 0 : i32
    %dma_start3A_14 = arith.constant 0 : i32
    %dma_start3A_15 = tpu.memref_slice %arg0[%div3A_1, %mul3A_4, %dma_start3A_13, %dma_start3A_14] : memref<14x14x64x768xf32, #tpu.memory_space<any>> -> memref<1x7x64x768xf32, #tpu.memory_space<any>>
    %dma_start3A_16 = tpu.memref_squeeze %dma_start3A_15 : memref<1x7x64x768xf32, #tpu.memory_space<any>> -> memref<7x64x768xf32, #tpu.memory_space<any>>
    tpu.enqueue_dma source(%dma_start3A_16 : memref<7x64x768xf32, #tpu.memory_space<any>>) target(%dma_start3A_12 : memref<7x64x768xf32, #tpu.memory_space<vmem>>) target_semaphore(%dma_start3A_7 : memref<!tpu.dma_semaphore, #tpu.memory_space<semaphore_mem>>)
    %div3A_17 = arith.constant 1 : i32
    %div3A_18 = arith.constant 2 : i32
    %div3A_19 = arith.divsi %div3A_17, %div3A_18 : i32
    %rem3A_20 = arith.constant 1 : i32
    %rem3A_21 = arith.constant 2 : i32
    %rem3A_22 = arith.remsi %rem3A_20, %rem3A_21 : i32
    %mul3A_23 = arith.constant 7 : i32
    %mul3A_24 = arith.muli %rem3A_22, %mul3A_23 : i32
    %dma_start3A_25 = arith.constant 1 : i32
    %dma_start3A_26 = arith.constant 1 : i32
    %dma_start3A_27 = tpu.memref_slice %arg6[%dma_start3A_26] : memref<8x!tpu.dma_semaphore, #tpu.memory_space<semaphore_mem>> -> memref<1x!tpu.dma_semaphore, #tpu.memory_space<semaphore_mem>>
    %dma_start3A_28 = tpu.memref_squeeze %dma_start3A_27 : memref<1x!tpu.dma_semaphore, #tpu.memory_space<semaphore_mem>> -> memref<!tpu.dma_semaphore, #tpu.memory_space<semaphore_mem>>
    %dma_start3A_29 = arith.constant 0 : i32
    %dma_start3A_30 = arith.constant 0 : i32
    %dma_start3A_31 = arith.constant 0 : i32
    %dma_start3A_32 = tpu.memref_slice %arg4[%dma_start3A_25, %dma_start3A_29, %dma_start3A_30, %dma_start3A_31] : memref<8x7x64x768xf32, #tpu.memory_space<vmem>> -> memref<1x7x64x768xf32, #tpu.memory_space<vmem>>
    %dma_start3A_33 = tpu.memref_squeeze %dma_start3A_32 : memref<1x7x64x768xf32, #tpu.memory_space<vmem>> -> memref<7x64x768xf32, #tpu.memory_space<vmem>>
    %dma_start3A_34 = arith.constant 0 : i32
    %dma_start3A_35 = arith.constant 0 : i32
    %dma_start3A_36 = tpu.memref_slice %arg0[%div3A_19, %mul3A_24, %dma_start3A_34, %dma_start3A_35] : memref<14x14x64x768xf32, #tpu.memory_space<any>> -> memref<1x7x64x768xf32, #tpu.memory_space<any>>
    %dma_start3A_37 = tpu.memref_squeeze %dma_start3A_36 : memref<1x7x64x768xf32, #tpu.memory_space<any>> -> memref<7x64x768xf32, #tpu.memory_space<any>>
    tpu.enqueue_dma source(%dma_start3A_37 : memref<7x64x768xf32, #tpu.memory_space<any>>) target(%dma_start3A_33 : memref<7x64x768xf32, #tpu.memory_space<vmem>>) target_semaphore(%dma_start3A_28 : memref<!tpu.dma_semaphore, #tpu.memory_space<semaphore_mem>>)
    %div3A_38 = arith.constant 2 : i32
    %div3A_39 = arith.constant 2 : i32
    %div3A_40 = arith.divsi %div3A_38, %div3A_39 : i32
    %rem3A_41 = arith.constant 2 : i32
    %rem3A_42 = arith.constant 2 : i32
    %rem3A_43 = arith.remsi %rem3A_41, %rem3A_42 : i32
    %mul3A_44 = arith.constant 7 : i32
    %mul3A_45 = arith.muli %rem3A_43, %mul3A_44 : i32
    %dma_start3A_46 = arith.constant 2 : i32
    %dma_start3A_47 = arith.constant 2 : i32
    %dma_start3A_48 = tpu.memref_slice %arg6[%dma_start3A_47] : memref<8x!tpu.dma_semaphore, #tpu.memory_space<semaphore_mem>> -> memref<1x!tpu.dma_semaphore, #tpu.memory_space<semaphore_mem>>
    %dma_start3A_49 = tpu.memref_squeeze %dma_start3A_48 : memref<1x!tpu.dma_semaphore, #tpu.memory_space<semaphore_mem>> -> memref<!tpu.dma_semaphore, #tpu.memory_space<semaphore_mem>>
    %dma_start3A_50 = arith.constant 0 : i32
    %dma_start3A_51 = arith.constant 0 : i32
    %dma_start3A_52 = arith.constant 0 : i32
    %dma_start3A_53 = tpu.memref_slice %arg4[%dma_start3A_46, %dma_start3A_50, %dma_start3A_51, %dma_start3A_52] : memref<8x7x64x768xf32, #tpu.memory_space<vmem>> -> memref<1x7x64x768xf32, #tpu.memory_space<vmem>>
    %dma_start3A_54 = tpu.memref_squeeze %dma_start3A_53 : memref<1x7x64x768xf32, #tpu.memory_space<vmem>> -> memref<7x64x768xf32, #tpu.memory_space<vmem>>
    %dma_start3A_55 = arith.constant 0 : i32
    %dma_start3A_56 = arith.constant 0 : i32
    %dma_start3A_57 = tpu.memref_slice %arg0[%div3A_40, %mul3A_45, %dma_start3A_55, %dma_start3A_56] : memref<14x14x64x768xf32, #tpu.memory_space<any>> -> memref<1x7x64x768xf32, #tpu.memory_space<any>>
    %dma_start3A_58 = tpu.memref_squeeze %dma_start3A_57 : memref<1x7x64x768xf32, #tpu.memory_space<any>> -> memref<7x64x768xf32, #tpu.memory_space<any>>
    tpu.enqueue_dma source(%dma_start3A_58 : memref<7x64x768xf32, #tpu.memory_space<any>>) target(%dma_start3A_54 : memref<7x64x768xf32, #tpu.memory_space<vmem>>) target_semaphore(%dma_start3A_49 : memref<!tpu.dma_semaphore, #tpu.memory_space<semaphore_mem>>)
    %div3A_59 = arith.constant 3 : i32
    %div3A_60 = arith.constant 2 : i32
    %div3A_61 = arith.divsi %div3A_59, %div3A_60 : i32
    %rem3A_62 = arith.constant 3 : i32
    %rem3A_63 = arith.constant 2 : i32
    %rem3A_64 = arith.remsi %rem3A_62, %rem3A_63 : i32
    %mul3A_65 = arith.constant 7 : i32
    %mul3A_66 = arith.muli %rem3A_64, %mul3A_65 : i32
    %dma_start3A_67 = arith.constant 3 : i32
    %dma_start3A_68 = arith.constant 3 : i32
    %dma_start3A_69 = tpu.memref_slice %arg6[%dma_start3A_68] : memref<8x!tpu.dma_semaphore, #tpu.memory_space<semaphore_mem>> -> memref<1x!tpu.dma_semaphore, #tpu.memory_space<semaphore_mem>>
    %dma_start3A_70 = tpu.memref_squeeze %dma_start3A_69 : memref<1x!tpu.dma_semaphore, #tpu.memory_space<semaphore_mem>> -> memref<!tpu.dma_semaphore, #tpu.memory_space<semaphore_mem>>
    %dma_start3A_71 = arith.constant 0 : i32
    %dma_start3A_72 = arith.constant 0 : i32
    %dma_start3A_73 = arith.constant 0 : i32
    %dma_start3A_74 = tpu.memref_slice %arg4[%dma_start3A_67, %dma_start3A_71, %dma_start3A_72, %dma_start3A_73] : memref<8x7x64x768xf32, #tpu.memory_space<vmem>> -> memref<1x7x64x768xf32, #tpu.memory_space<vmem>>
    %dma_start3A_75 = tpu.memref_squeeze %dma_start3A_74 : memref<1x7x64x768xf32, #tpu.memory_space<vmem>> -> memref<7x64x768xf32, #tpu.memory_space<vmem>>
    %dma_start3A_76 = arith.constant 0 : i32
    %dma_start3A_77 = arith.constant 0 : i32
    %dma_start3A_78 = tpu.memref_slice %arg0[%div3A_61, %mul3A_66, %dma_start3A_76, %dma_start3A_77] : memref<14x14x64x768xf32, #tpu.memory_space<any>> -> memref<1x7x64x768xf32, #tpu.memory_space<any>>
    %dma_start3A_79 = tpu.memref_squeeze %dma_start3A_78 : memref<1x7x64x768xf32, #tpu.memory_space<any>> -> memref<7x64x768xf32, #tpu.memory_space<any>>
    tpu.enqueue_dma source(%dma_start3A_79 : memref<7x64x768xf32, #tpu.memory_space<any>>) target(%dma_start3A_75 : memref<7x64x768xf32, #tpu.memory_space<vmem>>) target_semaphore(%dma_start3A_70 : memref<!tpu.dma_semaphore, #tpu.memory_space<semaphore_mem>>)
    %div3A_80 = arith.constant 4 : i32
    %div3A_81 = arith.constant 2 : i32
    %div3A_82 = arith.divsi %div3A_80, %div3A_81 : i32
    %rem3A_83 = arith.constant 4 : i32
    %rem3A_84 = arith.constant 2 : i32
    %rem3A_85 = arith.remsi %rem3A_83, %rem3A_84 : i32
    %mul3A_86 = arith.constant 7 : i32
    %mul3A_87 = arith.muli %rem3A_85, %mul3A_86 : i32
    %dma_start3A_88 = arith.constant 4 : i32
    %dma_start3A_89 = arith.constant 4 : i32
    %dma_start3A_90 = tpu.memref_slice %arg6[%dma_start3A_89] : memref<8x!tpu.dma_semaphore, #tpu.memory_space<semaphore_mem>> -> memref<1x!tpu.dma_semaphore, #tpu.memory_space<semaphore_mem>>
    %dma_start3A_91 = tpu.memref_squeeze %dma_start3A_90 : memref<1x!tpu.dma_semaphore, #tpu.memory_space<semaphore_mem>> -> memref<!tpu.dma_semaphore, #tpu.memory_space<semaphore_mem>>
    %dma_start3A_92 = arith.constant 0 : i32
    %dma_start3A_93 = arith.constant 0 : i32
    %dma_start3A_94 = arith.constant 0 : i32
    %dma_start3A_95 = tpu.memref_slice %arg4[%dma_start3A_88, %dma_start3A_92, %dma_start3A_93, %dma_start3A_94] : memref<8x7x64x768xf32, #tpu.memory_space<vmem>> -> memref<1x7x64x768xf32, #tpu.memory_space<vmem>>
    %dma_start3A_96 = tpu.memref_squeeze %dma_start3A_95 : memref<1x7x64x768xf32, #tpu.memory_space<vmem>> -> memref<7x64x768xf32, #tpu.memory_space<vmem>>
    %dma_start3A_97 = arith.constant 0 : i32
    %dma_start3A_98 = arith.constant 0 : i32
    %dma_start3A_99 = tpu.memref_slice %arg0[%div3A_82, %mul3A_87, %dma_start3A_97, %dma_start3A_98] : memref<14x14x64x768xf32, #tpu.memory_space<any>> -> memref<1x7x64x768xf32, #tpu.memory_space<any>>
    %dma_start3A_100 = tpu.memref_squeeze %dma_start3A_99 : memref<1x7x64x768xf32, #tpu.memory_space<any>> -> memref<7x64x768xf32, #tpu.memory_space<any>>
    tpu.enqueue_dma source(%dma_start3A_100 : memref<7x64x768xf32, #tpu.memory_space<any>>) target(%dma_start3A_96 : memref<7x64x768xf32, #tpu.memory_space<vmem>>) target_semaphore(%dma_start3A_91 : memref<!tpu.dma_semaphore, #tpu.memory_space<semaphore_mem>>)
    %div3A_101 = arith.constant 5 : i32
    %div3A_102 = arith.constant 2 : i32
    %div3A_103 = arith.divsi %div3A_101, %div3A_102 : i32
    %rem3A_104 = arith.constant 5 : i32
    %rem3A_105 = arith.constant 2 : i32
    %rem3A_106 = arith.remsi %rem3A_104, %rem3A_105 : i32
    %mul3A_107 = arith.constant 7 : i32
    %mul3A_108 = arith.muli %rem3A_106, %mul3A_107 : i32
    %dma_start3A_109 = arith.constant 5 : i32
    %dma_start3A_110 = arith.constant 5 : i32
    %dma_start3A_111 = tpu.memref_slice %arg6[%dma_start3A_110] : memref<8x!tpu.dma_semaphore, #tpu.memory_space<semaphore_mem>> -> memref<1x!tpu.dma_semaphore, #tpu.memory_space<semaphore_mem>>
    %dma_start3A_112 = tpu.memref_squeeze %dma_start3A_111 : memref<1x!tpu.dma_semaphore, #tpu.memory_space<semaphore_mem>> -> memref<!tpu.dma_semaphore, #tpu.memory_space<semaphore_mem>>
    %dma_start3A_113 = arith.constant 0 : i32
    %dma_start3A_114 = arith.constant 0 : i32
    %dma_start3A_115 = arith.constant 0 : i32
    %dma_start3A_116 = tpu.memref_slice %arg4[%dma_start3A_109, %dma_start3A_113, %dma_start3A_114, %dma_start3A_115] : memref<8x7x64x768xf32, #tpu.memory_space<vmem>> -> memref<1x7x64x768xf32, #tpu.memory_space<vmem>>
    %dma_start3A_117 = tpu.memref_squeeze %dma_start3A_116 : memref<1x7x64x768xf32, #tpu.memory_space<vmem>> -> memref<7x64x768xf32, #tpu.memory_space<vmem>>
    %dma_start3A_118 = arith.constant 0 : i32
    %dma_start3A_119 = arith.constant 0 : i32
    %dma_start3A_120 = tpu.memref_slice %arg0[%div3A_103, %mul3A_108, %dma_start3A_118, %dma_start3A_119] : memref<14x14x64x768xf32, #tpu.memory_space<any>> -> memref<1x7x64x768xf32, #tpu.memory_space<any>>
    %dma_start3A_121 = tpu.memref_squeeze %dma_start3A_120 : memref<1x7x64x768xf32, #tpu.memory_space<any>> -> memref<7x64x768xf32, #tpu.memory_space<any>>
    tpu.enqueue_dma source(%dma_start3A_121 : memref<7x64x768xf32, #tpu.memory_space<any>>) target(%dma_start3A_117 : memref<7x64x768xf32, #tpu.memory_space<vmem>>) target_semaphore(%dma_start3A_112 : memref<!tpu.dma_semaphore, #tpu.memory_space<semaphore_mem>>)
    %div3A_122 = arith.constant 6 : i32
    %div3A_123 = arith.constant 2 : i32
    %div3A_124 = arith.divsi %div3A_122, %div3A_123 : i32
    %rem3A_125 = arith.constant 6 : i32
    %rem3A_126 = arith.constant 2 : i32
    %rem3A_127 = arith.remsi %rem3A_125, %rem3A_126 : i32
    %mul3A_128 = arith.constant 7 : i32
    %mul3A_129 = arith.muli %rem3A_127, %mul3A_128 : i32
    %dma_start3A_130 = arith.constant 6 : i32
    %dma_start3A_131 = arith.constant 6 : i32
    %dma_start3A_132 = tpu.memref_slice %arg6[%dma_start3A_131] : memref<8x!tpu.dma_semaphore, #tpu.memory_space<semaphore_mem>> -> memref<1x!tpu.dma_semaphore, #tpu.memory_space<semaphore_mem>>
    %dma_start3A_133 = tpu.memref_squeeze %dma_start3A_132 : memref<1x!tpu.dma_semaphore, #tpu.memory_space<semaphore_mem>> -> memref<!tpu.dma_semaphore, #tpu.memory_space<semaphore_mem>>
    %dma_start3A_134 = arith.constant 0 : i32
    %dma_start3A_135 = arith.constant 0 : i32
    %dma_start3A_136 = arith.constant 0 : i32
    %dma_start3A_137 = tpu.memref_slice %arg4[%dma_start3A_130, %dma_start3A_134, %dma_start3A_135, %dma_start3A_136] : memref<8x7x64x768xf32, #tpu.memory_space<vmem>> -> memref<1x7x64x768xf32, #tpu.memory_space<vmem>>
    %dma_start3A_138 = tpu.memref_squeeze %dma_start3A_137 : memref<1x7x64x768xf32, #tpu.memory_space<vmem>> -> memref<7x64x768xf32, #tpu.memory_space<vmem>>
    %dma_start3A_139 = arith.constant 0 : i32
    %dma_start3A_140 = arith.constant 0 : i32
    %dma_start3A_141 = tpu.memref_slice %arg0[%div3A_124, %mul3A_129, %dma_start3A_139, %dma_start3A_140] : memref<14x14x64x768xf32, #tpu.memory_space<any>> -> memref<1x7x64x768xf32, #tpu.memory_space<any>>
    %dma_start3A_142 = tpu.memref_squeeze %dma_start3A_141 : memref<1x7x64x768xf32, #tpu.memory_space<any>> -> memref<7x64x768xf32, #tpu.memory_space<any>>
    tpu.enqueue_dma source(%dma_start3A_142 : memref<7x64x768xf32, #tpu.memory_space<any>>) target(%dma_start3A_138 : memref<7x64x768xf32, #tpu.memory_space<vmem>>) target_semaphore(%dma_start3A_133 : memref<!tpu.dma_semaphore, #tpu.memory_space<semaphore_mem>>)
    %div3A_143 = arith.constant 7 : i32
    %div3A_144 = arith.constant 2 : i32
    %div3A_145 = arith.divsi %div3A_143, %div3A_144 : i32
    %rem3A_146 = arith.constant 7 : i32
    %rem3A_147 = arith.constant 2 : i32
    %rem3A_148 = arith.remsi %rem3A_146, %rem3A_147 : i32
    %mul3A_149 = arith.constant 7 : i32
    %mul3A_150 = arith.muli %rem3A_148, %mul3A_149 : i32
    %dma_start3A_151 = arith.constant 7 : i32
    %dma_start3A_152 = arith.constant 7 : i32
    %dma_start3A_153 = tpu.memref_slice %arg6[%dma_start3A_152] : memref<8x!tpu.dma_semaphore, #tpu.memory_space<semaphore_mem>> -> memref<1x!tpu.dma_semaphore, #tpu.memory_space<semaphore_mem>>
    %dma_start3A_154 = tpu.memref_squeeze %dma_start3A_153 : memref<1x!tpu.dma_semaphore, #tpu.memory_space<semaphore_mem>> -> memref<!tpu.dma_semaphore, #tpu.memory_space<semaphore_mem>>
    %dma_start3A_155 = arith.constant 0 : i32
    %dma_start3A_156 = arith.constant 0 : i32
    %dma_start3A_157 = arith.constant 0 : i32
    %dma_start3A_158 = tpu.memref_slice %arg4[%dma_start3A_151, %dma_start3A_155, %dma_start3A_156, %dma_start3A_157] : memref<8x7x64x768xf32, #tpu.memory_space<vmem>> -> memref<1x7x64x768xf32, #tpu.memory_space<vmem>>
    %dma_start3A_159 = tpu.memref_squeeze %dma_start3A_158 : memref<1x7x64x768xf32, #tpu.memory_space<vmem>> -> memref<7x64x768xf32, #tpu.memory_space<vmem>>
    %dma_start3A_160 = arith.constant 0 : i32
    %dma_start3A_161 = arith.constant 0 : i32
    %dma_start3A_162 = tpu.memref_slice %arg0[%div3A_145, %mul3A_150, %dma_start3A_160, %dma_start3A_161] : memref<14x14x64x768xf32, #tpu.memory_space<any>> -> memref<1x7x64x768xf32, #tpu.memory_space<any>>
    %dma_start3A_163 = tpu.memref_squeeze %dma_start3A_162 : memref<1x7x64x768xf32, #tpu.memory_space<any>> -> memref<7x64x768xf32, #tpu.memory_space<any>>
    tpu.enqueue_dma source(%dma_start3A_163 : memref<7x64x768xf32, #tpu.memory_space<any>>) target(%dma_start3A_159 : memref<7x64x768xf32, #tpu.memory_space<vmem>>) target_semaphore(%dma_start3A_154 : memref<!tpu.dma_semaphore, #tpu.memory_space<semaphore_mem>>)
    %scan3A = arith.constant 0 : i32
    %scan3A_164 = arith.constant 28 : i32
    %scan3A_165 = arith.addi %scan3A, %scan3A_164 : i32
    %scan3A_166 = arith.constant 1 : i32
    scf.for %scan3A_335 = %scan3A to %scan3A_165 step %scan3A_166  : i32 {
      %rem3A_336 = arith.constant 8 : i32
      %rem3A_337 = arith.remsi %scan3A_335, %rem3A_336 : i32
      %ge3A = arith.constant 8 : i32
      %ge3A_338 = arith.cmpi sge, %scan3A_335, %ge3A : i32
      %convert_element_type3A = arith.extui %ge3A_338 : i1 to i32
      %cond3A = arith.constant 0 : i32
      %cond3A_339 = arith.cmpi ne, %convert_element_type3A, %cond3A : i32
      scf.if %cond3A_339 {
        %sub3A = arith.constant 8 : i32
        %sub3A_401 = arith.subi %scan3A_335, %sub3A : i32
        %div3A_402 = arith.constant 2 : i32
        %div3A_403 = arith.divsi %sub3A_401, %div3A_402 : i32
        %rem3A_404 = arith.constant 2 : i32
        %rem3A_405 = arith.remsi %sub3A_401, %rem3A_404 : i32
        %mul3A_406 = arith.constant 7 : i32
        %mul3A_407 = arith.muli %rem3A_405, %mul3A_406 : i32
        %dma_wait3A_408 = tpu.memref_slice %arg7[%rem3A_337] : memref<8x!tpu.dma_semaphore, #tpu.memory_space<semaphore_mem>> -> memref<1x!tpu.dma_semaphore, #tpu.memory_space<semaphore_mem>>
        %dma_wait3A_409 = tpu.memref_squeeze %dma_wait3A_408 : memref<1x!tpu.dma_semaphore, #tpu.memory_space<semaphore_mem>> -> memref<!tpu.dma_semaphore, #tpu.memory_space<semaphore_mem>>
        %dma_wait3A_410 = arith.constant 0 : i32
        %dma_wait3A_411 = arith.constant 0 : i32
        %dma_wait3A_412 = tpu.memref_slice %arg3[%div3A_403, %mul3A_407, %dma_wait3A_410, %dma_wait3A_411] : memref<14x14x64x768xf32, #tpu.memory_space<any>> -> memref<1x7x64x768xf32, #tpu.memory_space<any>>
        %dma_wait3A_413 = tpu.memref_squeeze %dma_wait3A_412 : memref<1x7x64x768xf32, #tpu.memory_space<any>> -> memref<7x64x768xf32, #tpu.memory_space<any>>
        %dma_wait3A_414 = arith.constant 0 : i32
        %dma_wait3A_415 = arith.constant 0 : i32
        %dma_wait3A_416 = arith.constant 0 : i32
        %dma_wait3A_417 = tpu.memref_slice %arg5[%rem3A_337, %dma_wait3A_414, %dma_wait3A_415, %dma_wait3A_416] : memref<8x7x64x768xf32, #tpu.memory_space<vmem>> -> memref<1x7x64x768xf32, #tpu.memory_space<vmem>>
        %dma_wait3A_418 = tpu.memref_squeeze %dma_wait3A_417 : memref<1x7x64x768xf32, #tpu.memory_space<vmem>> -> memref<7x64x768xf32, #tpu.memory_space<vmem>>
        tpu.wait_dma2 semaphore(%dma_wait3A_409 : memref<!tpu.dma_semaphore, #tpu.memory_space<semaphore_mem>>) src(%dma_wait3A_418 : memref<7x64x768xf32, #tpu.memory_space<vmem>>) dst(%dma_wait3A_413 : memref<7x64x768xf32, #tpu.memory_space<any>>)
      } else {
      }
      %div3A_340 = arith.constant 2 : i32
      %div3A_341 = arith.divsi %scan3A_335, %div3A_340 : i32
      %rem3A_342 = arith.constant 2 : i32
      %rem3A_343 = arith.remsi %scan3A_335, %rem3A_342 : i32
      %mul3A_344 = arith.constant 7 : i32
      %mul3A_345 = arith.muli %rem3A_343, %mul3A_344 : i32
      %dma_wait3A_346 = tpu.memref_slice %arg6[%rem3A_337] : memref<8x!tpu.dma_semaphore, #tpu.memory_space<semaphore_mem>> -> memref<1x!tpu.dma_semaphore, #tpu.memory_space<semaphore_mem>>
      %dma_wait3A_347 = tpu.memref_squeeze %dma_wait3A_346 : memref<1x!tpu.dma_semaphore, #tpu.memory_space<semaphore_mem>> -> memref<!tpu.dma_semaphore, #tpu.memory_space<semaphore_mem>>
      %dma_wait3A_348 = arith.constant 0 : i32
      %dma_wait3A_349 = arith.constant 0 : i32
      %dma_wait3A_350 = arith.constant 0 : i32
      %dma_wait3A_351 = tpu.memref_slice %arg4[%rem3A_337, %dma_wait3A_348, %dma_wait3A_349, %dma_wait3A_350] : memref<8x7x64x768xf32, #tpu.memory_space<vmem>> -> memref<1x7x64x768xf32, #tpu.memory_space<vmem>>
      %dma_wait3A_352 = tpu.memref_squeeze %dma_wait3A_351 : memref<1x7x64x768xf32, #tpu.memory_space<vmem>> -> memref<7x64x768xf32, #tpu.memory_space<vmem>>
      %dma_wait3A_353 = arith.constant 0 : i32
      %dma_wait3A_354 = arith.constant 0 : i32
      %dma_wait3A_355 = tpu.memref_slice %arg0[%div3A_341, %mul3A_345, %dma_wait3A_353, %dma_wait3A_354] : memref<14x14x64x768xf32, #tpu.memory_space<any>> -> memref<1x7x64x768xf32, #tpu.memory_space<any>>
      %dma_wait3A_356 = tpu.memref_squeeze %dma_wait3A_355 : memref<1x7x64x768xf32, #tpu.memory_space<any>> -> memref<7x64x768xf32, #tpu.memory_space<any>>
      tpu.wait_dma2 semaphore(%dma_wait3A_347 : memref<!tpu.dma_semaphore, #tpu.memory_space<semaphore_mem>>) src(%dma_wait3A_356 : memref<7x64x768xf32, #tpu.memory_space<any>>) dst(%dma_wait3A_352 : memref<7x64x768xf32, #tpu.memory_space<vmem>>)
      %get3A = arith.index_cast %rem3A_337 : i32 to index
      %get3A_357 = arith.constant 0 : index
      %get3A_358 = arith.constant 0 : index
      %get3A_359 = arith.constant 0 : index
      %get3A_360 = vector.load %arg4[%get3A, %get3A_357, %get3A_358, %get3A_359] : memref<8x7x64x768xf32, #tpu.memory_space<vmem>>, vector<1x7x64x768xf32>
      %get3A_361 = vector.shape_cast %get3A_360 : vector<1x7x64x768xf32> to vector<7x64x768xf32>
      %get3A_362 = arith.constant 0 : index
      %get3A_363 = arith.constant 0 : index
      %get3A_364 = vector.load %arg1[%get3A_362, %get3A_363] : memref<64x768xf32, #tpu.memory_space<vmem>>, vector<64x768xf32>
      %broadcast_in_dim3A = vector.shape_cast %get3A_364 : vector<64x768xf32> to vector<1x64x768xf32>
      %mul3A_365 = vector.broadcast %broadcast_in_dim3A : vector<1x64x768xf32> to vector<7x64x768xf32>
      %mul3A_366 = arith.mulf %get3A_361, %mul3A_365 : vector<7x64x768xf32>
      %get3A_367 = arith.constant 0 : index
      %get3A_368 = arith.constant 0 : index
      %get3A_369 = vector.load %arg2[%get3A_367, %get3A_368] : memref<64x768xf32, #tpu.memory_space<vmem>>, vector<64x768xf32>
      %broadcast_in_dim3A_370 = vector.shape_cast %get3A_369 : vector<64x768xf32> to vector<1x64x768xf32>
      %add3A = vector.broadcast %broadcast_in_dim3A_370 : vector<1x64x768xf32> to vector<7x64x768xf32>
      %add3A_371 = arith.addf %mul3A_366, %add3A : vector<7x64x768xf32>
      %swap3A = arith.index_cast %rem3A_337 : i32 to index
      %swap3A_372 = arith.constant 0 : index
      %swap3A_373 = arith.constant 0 : index
      %swap3A_374 = arith.constant 0 : index
      %swap3A_375 = vector.load %arg5[%swap3A, %swap3A_372, %swap3A_373, %swap3A_374] : memref<8x7x64x768xf32, #tpu.memory_space<vmem>>, vector<1x7x64x768xf32>
      %swap3A_376 = vector.shape_cast %swap3A_375 : vector<1x7x64x768xf32> to vector<7x64x768xf32>
      %swap3A_377 = vector.shape_cast %add3A_371 : vector<7x64x768xf32> to vector<1x7x64x768xf32>
      tpu.vector_store %arg5[%swap3A, %swap3A_372, %swap3A_373, %swap3A_374], %swap3A_377 {strides = array<i32>} : memref<8x7x64x768xf32, #tpu.memory_space<vmem>>, vector<1x7x64x768xf32>,
      %div3A_378 = arith.constant 2 : i32
      %div3A_379 = arith.divsi %scan3A_335, %div3A_378 : i32
      %rem3A_380 = arith.constant 2 : i32
      %rem3A_381 = arith.remsi %scan3A_335, %rem3A_380 : i32
      %mul3A_382 = arith.constant 7 : i32
      %mul3A_383 = arith.muli %rem3A_381, %mul3A_382 : i32
      %dma_start3A_384 = tpu.memref_slice %arg7[%rem3A_337] : memref<8x!tpu.dma_semaphore, #tpu.memory_space<semaphore_mem>> -> memref<1x!tpu.dma_semaphore, #tpu.memory_space<semaphore_mem>>
      %dma_start3A_385 = tpu.memref_squeeze %dma_start3A_384 : memref<1x!tpu.dma_semaphore, #tpu.memory_space<semaphore_mem>> -> memref<!tpu.dma_semaphore, #tpu.memory_space<semaphore_mem>>
      %dma_start3A_386 = arith.constant 0 : i32
      %dma_start3A_387 = arith.constant 0 : i32
      %dma_start3A_388 = tpu.memref_slice %arg3[%div3A_379, %mul3A_383, %dma_start3A_386, %dma_start3A_387] : memref<14x14x64x768xf32, #tpu.memory_space<any>> -> memref<1x7x64x768xf32, #tpu.memory_space<any>>
      %dma_start3A_389 = tpu.memref_squeeze %dma_start3A_388 : memref<1x7x64x768xf32, #tpu.memory_space<any>> -> memref<7x64x768xf32, #tpu.memory_space<any>>
      %dma_start3A_390 = arith.constant 0 : i32
      %dma_start3A_391 = arith.constant 0 : i32
      %dma_start3A_392 = arith.constant 0 : i32
      %dma_start3A_393 = tpu.memref_slice %arg5[%rem3A_337, %dma_start3A_390, %dma_start3A_391, %dma_start3A_392] : memref<8x7x64x768xf32, #tpu.memory_space<vmem>> -> memref<1x7x64x768xf32, #tpu.memory_space<vmem>>
      %dma_start3A_394 = tpu.memref_squeeze %dma_start3A_393 : memref<1x7x64x768xf32, #tpu.memory_space<vmem>> -> memref<7x64x768xf32, #tpu.memory_space<vmem>>
      tpu.enqueue_dma source(%dma_start3A_394 : memref<7x64x768xf32, #tpu.memory_space<vmem>>) target(%dma_start3A_389 : memref<7x64x768xf32, #tpu.memory_space<any>>) target_semaphore(%dma_start3A_385 : memref<!tpu.dma_semaphore, #tpu.memory_space<semaphore_mem>>)
      %add3A_395 = arith.constant 8 : i32
      %add3A_396 = arith.addi %scan3A_335, %add3A_395 : i32
      %lt3A = arith.constant 28 : i32
      %lt3A_397 = arith.cmpi slt, %add3A_396, %lt3A : i32
      %convert_element_type3A_398 = arith.extui %lt3A_397 : i1 to i32
      %cond3A_399 = arith.constant 0 : i32
      %cond3A_400 = arith.cmpi ne, %convert_element_type3A_398, %cond3A_399 : i32
      scf.if %cond3A_400 {
        %add3A_401 = arith.constant 8 : i32
        %add3A_402 = arith.addi %scan3A_335, %add3A_401 : i32
        %div3A_403 = arith.constant 2 : i32
        %div3A_404 = arith.divsi %add3A_402, %div3A_403 : i32
        %rem3A_405 = arith.constant 2 : i32
        %rem3A_406 = arith.remsi %add3A_402, %rem3A_405 : i32
        %mul3A_407 = arith.constant 7 : i32
        %mul3A_408 = arith.muli %rem3A_406, %mul3A_407 : i32
        %dma_start3A_409 = tpu.memref_slice %arg6[%rem3A_337] : memref<8x!tpu.dma_semaphore, #tpu.memory_space<semaphore_mem>> -> memref<1x!tpu.dma_semaphore, #tpu.memory_space<semaphore_mem>>
        %dma_start3A_410 = tpu.memref_squeeze %dma_start3A_409 : memref<1x!tpu.dma_semaphore, #tpu.memory_space<semaphore_mem>> -> memref<!tpu.dma_semaphore, #tpu.memory_space<semaphore_mem>>
        %dma_start3A_411 = arith.constant 0 : i32
        %dma_start3A_412 = arith.constant 0 : i32
        %dma_start3A_413 = arith.constant 0 : i32
        %dma_start3A_414 = tpu.memref_slice %arg4[%rem3A_337, %dma_start3A_411, %dma_start3A_412, %dma_start3A_413] : memref<8x7x64x768xf32, #tpu.memory_space<vmem>> -> memref<1x7x64x768xf32, #tpu.memory_space<vmem>>
        %dma_start3A_415 = tpu.memref_squeeze %dma_start3A_414 : memref<1x7x64x768xf32, #tpu.memory_space<vmem>> -> memref<7x64x768xf32, #tpu.memory_space<vmem>>
        %dma_start3A_416 = arith.constant 0 : i32
        %dma_start3A_417 = arith.constant 0 : i32
        %dma_start3A_418 = tpu.memref_slice %arg0[%div3A_404, %mul3A_408, %dma_start3A_416, %dma_start3A_417] : memref<14x14x64x768xf32, #tpu.memory_space<any>> -> memref<1x7x64x768xf32, #tpu.memory_space<any>>
        %dma_start3A_419 = tpu.memref_squeeze %dma_start3A_418 : memref<1x7x64x768xf32, #tpu.memory_space<any>> -> memref<7x64x768xf32, #tpu.memory_space<any>>
        tpu.enqueue_dma source(%dma_start3A_419 : memref<7x64x768xf32, #tpu.memory_space<any>>) target(%dma_start3A_415 : memref<7x64x768xf32, #tpu.memory_space<vmem>>) target_semaphore(%dma_start3A_410 : memref<!tpu.dma_semaphore, #tpu.memory_space<semaphore_mem>>)
      } else {
      }
    }
    %scan3A_167 = arith.constant 28 : i32
    %div3A_168 = arith.constant 20 : i32
    %div3A_169 = arith.constant 2 : i32
    %div3A_170 = arith.divsi %div3A_168, %div3A_169 : i32
    %rem3A_171 = arith.constant 20 : i32
    %rem3A_172 = arith.constant 2 : i32
    %rem3A_173 = arith.remsi %rem3A_171, %rem3A_172 : i32
    %mul3A_174 = arith.constant 7 : i32
    %mul3A_175 = arith.muli %rem3A_173, %mul3A_174 : i32
    %dma_wait3A = arith.constant 4 : i32
    %dma_wait3A_176 = arith.constant 4 : i32
    %dma_wait3A_177 = tpu.memref_slice %arg7[%dma_wait3A_176] : memref<8x!tpu.dma_semaphore, #tpu.memory_space<semaphore_mem>> -> memref<1x!tpu.dma_semaphore, #tpu.memory_space<semaphore_mem>>
    %dma_wait3A_178 = tpu.memref_squeeze %dma_wait3A_177 : memref<1x!tpu.dma_semaphore, #tpu.memory_space<semaphore_mem>> -> memref<!tpu.dma_semaphore, #tpu.memory_space<semaphore_mem>>
    %dma_wait3A_179 = arith.constant 0 : i32
    %dma_wait3A_180 = arith.constant 0 : i32
    %dma_wait3A_181 = tpu.memref_slice %arg3[%div3A_170, %mul3A_175, %dma_wait3A_179, %dma_wait3A_180] : memref<14x14x64x768xf32, #tpu.memory_space<any>> -> memref<1x7x64x768xf32, #tpu.memory_space<any>>
    %dma_wait3A_182 = tpu.memref_squeeze %dma_wait3A_181 : memref<1x7x64x768xf32, #tpu.memory_space<any>> -> memref<7x64x768xf32, #tpu.memory_space<any>>
    %dma_wait3A_183 = arith.constant 0 : i32
    %dma_wait3A_184 = arith.constant 0 : i32
    %dma_wait3A_185 = arith.constant 0 : i32
    %dma_wait3A_186 = tpu.memref_slice %arg5[%dma_wait3A, %dma_wait3A_183, %dma_wait3A_184, %dma_wait3A_185] : memref<8x7x64x768xf32, #tpu.memory_space<vmem>> -> memref<1x7x64x768xf32, #tpu.memory_space<vmem>>
    %dma_wait3A_187 = tpu.memref_squeeze %dma_wait3A_186 : memref<1x7x64x768xf32, #tpu.memory_space<vmem>> -> memref<7x64x768xf32, #tpu.memory_space<vmem>>
    tpu.wait_dma2 semaphore(%dma_wait3A_178 : memref<!tpu.dma_semaphore, #tpu.memory_space<semaphore_mem>>) src(%dma_wait3A_187 : memref<7x64x768xf32, #tpu.memory_space<vmem>>) dst(%dma_wait3A_182 : memref<7x64x768xf32, #tpu.memory_space<any>>)
    %div3A_188 = arith.constant 21 : i32
    %div3A_189 = arith.constant 2 : i32
    %div3A_190 = arith.divsi %div3A_188, %div3A_189 : i32
    %rem3A_191 = arith.constant 21 : i32
    %rem3A_192 = arith.constant 2 : i32
    %rem3A_193 = arith.remsi %rem3A_191, %rem3A_192 : i32
    %mul3A_194 = arith.constant 7 : i32
    %mul3A_195 = arith.muli %rem3A_193, %mul3A_194 : i32
    %dma_wait3A_196 = arith.constant 5 : i32
    %dma_wait3A_197 = arith.constant 5 : i32
    %dma_wait3A_198 = tpu.memref_slice %arg7[%dma_wait3A_197] : memref<8x!tpu.dma_semaphore, #tpu.memory_space<semaphore_mem>> -> memref<1x!tpu.dma_semaphore, #tpu.memory_space<semaphore_mem>>
    %dma_wait3A_199 = tpu.memref_squeeze %dma_wait3A_198 : memref<1x!tpu.dma_semaphore, #tpu.memory_space<semaphore_mem>> -> memref<!tpu.dma_semaphore, #tpu.memory_space<semaphore_mem>>
    %dma_wait3A_200 = arith.constant 0 : i32
    %dma_wait3A_201 = arith.constant 0 : i32
    %dma_wait3A_202 = tpu.memref_slice %arg3[%div3A_190, %mul3A_195, %dma_wait3A_200, %dma_wait3A_201] : memref<14x14x64x768xf32, #tpu.memory_space<any>> -> memref<1x7x64x768xf32, #tpu.memory_space<any>>
    %dma_wait3A_203 = tpu.memref_squeeze %dma_wait3A_202 : memref<1x7x64x768xf32, #tpu.memory_space<any>> -> memref<7x64x768xf32, #tpu.memory_space<any>>
    %dma_wait3A_204 = arith.constant 0 : i32
    %dma_wait3A_205 = arith.constant 0 : i32
    %dma_wait3A_206 = arith.constant 0 : i32
    %dma_wait3A_207 = tpu.memref_slice %arg5[%dma_wait3A_196, %dma_wait3A_204, %dma_wait3A_205, %dma_wait3A_206] : memref<8x7x64x768xf32, #tpu.memory_space<vmem>> -> memref<1x7x64x768xf32, #tpu.memory_space<vmem>>
    %dma_wait3A_208 = tpu.memref_squeeze %dma_wait3A_207 : memref<1x7x64x768xf32, #tpu.memory_space<vmem>> -> memref<7x64x768xf32, #tpu.memory_space<vmem>>
    tpu.wait_dma2 semaphore(%dma_wait3A_199 : memref<!tpu.dma_semaphore, #tpu.memory_space<semaphore_mem>>) src(%dma_wait3A_208 : memref<7x64x768xf32, #tpu.memory_space<vmem>>) dst(%dma_wait3A_203 : memref<7x64x768xf32, #tpu.memory_space<any>>)
    %div3A_209 = arith.constant 22 : i32
    %div3A_210 = arith.constant 2 : i32
    %div3A_211 = arith.divsi %div3A_209, %div3A_210 : i32
    %rem3A_212 = arith.constant 22 : i32
    %rem3A_213 = arith.constant 2 : i32
    %rem3A_214 = arith.remsi %rem3A_212, %rem3A_213 : i32
    %mul3A_215 = arith.constant 7 : i32
    %mul3A_216 = arith.muli %rem3A_214, %mul3A_215 : i32
    %dma_wait3A_217 = arith.constant 6 : i32
    %dma_wait3A_218 = arith.constant 6 : i32
    %dma_wait3A_219 = tpu.memref_slice %arg7[%dma_wait3A_218] : memref<8x!tpu.dma_semaphore, #tpu.memory_space<semaphore_mem>> -> memref<1x!tpu.dma_semaphore, #tpu.memory_space<semaphore_mem>>
    %dma_wait3A_220 = tpu.memref_squeeze %dma_wait3A_219 : memref<1x!tpu.dma_semaphore, #tpu.memory_space<semaphore_mem>> -> memref<!tpu.dma_semaphore, #tpu.memory_space<semaphore_mem>>
    %dma_wait3A_221 = arith.constant 0 : i32
    %dma_wait3A_222 = arith.constant 0 : i32
    %dma_wait3A_223 = tpu.memref_slice %arg3[%div3A_211, %mul3A_216, %dma_wait3A_221, %dma_wait3A_222] : memref<14x14x64x768xf32, #tpu.memory_space<any>> -> memref<1x7x64x768xf32, #tpu.memory_space<any>>
    %dma_wait3A_224 = tpu.memref_squeeze %dma_wait3A_223 : memref<1x7x64x768xf32, #tpu.memory_space<any>> -> memref<7x64x768xf32, #tpu.memory_space<any>>
    %dma_wait3A_225 = arith.constant 0 : i32
    %dma_wait3A_226 = arith.constant 0 : i32
    %dma_wait3A_227 = arith.constant 0 : i32
    %dma_wait3A_228 = tpu.memref_slice %arg5[%dma_wait3A_217, %dma_wait3A_225, %dma_wait3A_226, %dma_wait3A_227] : memref<8x7x64x768xf32, #tpu.memory_space<vmem>> -> memref<1x7x64x768xf32, #tpu.memory_space<vmem>>
    %dma_wait3A_229 = tpu.memref_squeeze %dma_wait3A_228 : memref<1x7x64x768xf32, #tpu.memory_space<vmem>> -> memref<7x64x768xf32, #tpu.memory_space<vmem>>
    tpu.wait_dma2 semaphore(%dma_wait3A_220 : memref<!tpu.dma_semaphore, #tpu.memory_space<semaphore_mem>>) src(%dma_wait3A_229 : memref<7x64x768xf32, #tpu.memory_space<vmem>>) dst(%dma_wait3A_224 : memref<7x64x768xf32, #tpu.memory_space<any>>)
    %div3A_230 = arith.constant 23 : i32
    %div3A_231 = arith.constant 2 : i32
    %div3A_232 = arith.divsi %div3A_230, %div3A_231 : i32
    %rem3A_233 = arith.constant 23 : i32
    %rem3A_234 = arith.constant 2 : i32
    %rem3A_235 = arith.remsi %rem3A_233, %rem3A_234 : i32
    %mul3A_236 = arith.constant 7 : i32
    %mul3A_237 = arith.muli %rem3A_235, %mul3A_236 : i32
    %dma_wait3A_238 = arith.constant 7 : i32
    %dma_wait3A_239 = arith.constant 7 : i32
    %dma_wait3A_240 = tpu.memref_slice %arg7[%dma_wait3A_239] : memref<8x!tpu.dma_semaphore, #tpu.memory_space<semaphore_mem>> -> memref<1x!tpu.dma_semaphore, #tpu.memory_space<semaphore_mem>>
    %dma_wait3A_241 = tpu.memref_squeeze %dma_wait3A_240 : memref<1x!tpu.dma_semaphore, #tpu.memory_space<semaphore_mem>> -> memref<!tpu.dma_semaphore, #tpu.memory_space<semaphore_mem>>
    %dma_wait3A_242 = arith.constant 0 : i32
    %dma_wait3A_243 = arith.constant 0 : i32
    %dma_wait3A_244 = tpu.memref_slice %arg3[%div3A_232, %mul3A_237, %dma_wait3A_242, %dma_wait3A_243] : memref<14x14x64x768xf32, #tpu.memory_space<any>> -> memref<1x7x64x768xf32, #tpu.memory_space<any>>
    %dma_wait3A_245 = tpu.memref_squeeze %dma_wait3A_244 : memref<1x7x64x768xf32, #tpu.memory_space<any>> -> memref<7x64x768xf32, #tpu.memory_space<any>>
    %dma_wait3A_246 = arith.constant 0 : i32
    %dma_wait3A_247 = arith.constant 0 : i32
    %dma_wait3A_248 = arith.constant 0 : i32
    %dma_wait3A_249 = tpu.memref_slice %arg5[%dma_wait3A_238, %dma_wait3A_246, %dma_wait3A_247, %dma_wait3A_248] : memref<8x7x64x768xf32, #tpu.memory_space<vmem>> -> memref<1x7x64x768xf32, #tpu.memory_space<vmem>>
    %dma_wait3A_250 = tpu.memref_squeeze %dma_wait3A_249 : memref<1x7x64x768xf32, #tpu.memory_space<vmem>> -> memref<7x64x768xf32, #tpu.memory_space<vmem>>
    tpu.wait_dma2 semaphore(%dma_wait3A_241 : memref<!tpu.dma_semaphore, #tpu.memory_space<semaphore_mem>>) src(%dma_wait3A_250 : memref<7x64x768xf32, #tpu.memory_space<vmem>>) dst(%dma_wait3A_245 : memref<7x64x768xf32, #tpu.memory_space<any>>)
    %div3A_251 = arith.constant 24 : i32
    %div3A_252 = arith.constant 2 : i32
    %div3A_253 = arith.divsi %div3A_251, %div3A_252 : i32
    %rem3A_254 = arith.constant 24 : i32
    %rem3A_255 = arith.constant 2 : i32
    %rem3A_256 = arith.remsi %rem3A_254, %rem3A_255 : i32
    %mul3A_257 = arith.constant 7 : i32
    %mul3A_258 = arith.muli %rem3A_256, %mul3A_257 : i32
    %dma_wait3A_259 = arith.constant 0 : i32
    %dma_wait3A_260 = arith.constant 0 : i32
    %dma_wait3A_261 = tpu.memref_slice %arg7[%dma_wait3A_260] : memref<8x!tpu.dma_semaphore, #tpu.memory_space<semaphore_mem>> -> memref<1x!tpu.dma_semaphore, #tpu.memory_space<semaphore_mem>>
    %dma_wait3A_262 = tpu.memref_squeeze %dma_wait3A_261 : memref<1x!tpu.dma_semaphore, #tpu.memory_space<semaphore_mem>> -> memref<!tpu.dma_semaphore, #tpu.memory_space<semaphore_mem>>
    %dma_wait3A_263 = arith.constant 0 : i32
    %dma_wait3A_264 = arith.constant 0 : i32
    %dma_wait3A_265 = tpu.memref_slice %arg3[%div3A_253, %mul3A_258, %dma_wait3A_263, %dma_wait3A_264] : memref<14x14x64x768xf32, #tpu.memory_space<any>> -> memref<1x7x64x768xf32, #tpu.memory_space<any>>
    %dma_wait3A_266 = tpu.memref_squeeze %dma_wait3A_265 : memref<1x7x64x768xf32, #tpu.memory_space<any>> -> memref<7x64x768xf32, #tpu.memory_space<any>>
    %dma_wait3A_267 = arith.constant 0 : i32
    %dma_wait3A_268 = arith.constant 0 : i32
    %dma_wait3A_269 = arith.constant 0 : i32
    %dma_wait3A_270 = tpu.memref_slice %arg5[%dma_wait3A_259, %dma_wait3A_267, %dma_wait3A_268, %dma_wait3A_269] : memref<8x7x64x768xf32, #tpu.memory_space<vmem>> -> memref<1x7x64x768xf32, #tpu.memory_space<vmem>>
    %dma_wait3A_271 = tpu.memref_squeeze %dma_wait3A_270 : memref<1x7x64x768xf32, #tpu.memory_space<vmem>> -> memref<7x64x768xf32, #tpu.memory_space<vmem>>
    tpu.wait_dma2 semaphore(%dma_wait3A_262 : memref<!tpu.dma_semaphore, #tpu.memory_space<semaphore_mem>>) src(%dma_wait3A_271 : memref<7x64x768xf32, #tpu.memory_space<vmem>>) dst(%dma_wait3A_266 : memref<7x64x768xf32, #tpu.memory_space<any>>)
    %div3A_272 = arith.constant 25 : i32
    %div3A_273 = arith.constant 2 : i32
    %div3A_274 = arith.divsi %div3A_272, %div3A_273 : i32
    %rem3A_275 = arith.constant 25 : i32
    %rem3A_276 = arith.constant 2 : i32
    %rem3A_277 = arith.remsi %rem3A_275, %rem3A_276 : i32
    %mul3A_278 = arith.constant 7 : i32
    %mul3A_279 = arith.muli %rem3A_277, %mul3A_278 : i32
    %dma_wait3A_280 = arith.constant 1 : i32
    %dma_wait3A_281 = arith.constant 1 : i32
    %dma_wait3A_282 = tpu.memref_slice %arg7[%dma_wait3A_281] : memref<8x!tpu.dma_semaphore, #tpu.memory_space<semaphore_mem>> -> memref<1x!tpu.dma_semaphore, #tpu.memory_space<semaphore_mem>>
    %dma_wait3A_283 = tpu.memref_squeeze %dma_wait3A_282 : memref<1x!tpu.dma_semaphore, #tpu.memory_space<semaphore_mem>> -> memref<!tpu.dma_semaphore, #tpu.memory_space<semaphore_mem>>
    %dma_wait3A_284 = arith.constant 0 : i32
    %dma_wait3A_285 = arith.constant 0 : i32
    %dma_wait3A_286 = tpu.memref_slice %arg3[%div3A_274, %mul3A_279, %dma_wait3A_284, %dma_wait3A_285] : memref<14x14x64x768xf32, #tpu.memory_space<any>> -> memref<1x7x64x768xf32, #tpu.memory_space<any>>
    %dma_wait3A_287 = tpu.memref_squeeze %dma_wait3A_286 : memref<1x7x64x768xf32, #tpu.memory_space<any>> -> memref<7x64x768xf32, #tpu.memory_space<any>>
    %dma_wait3A_288 = arith.constant 0 : i32
    %dma_wait3A_289 = arith.constant 0 : i32
    %dma_wait3A_290 = arith.constant 0 : i32
    %dma_wait3A_291 = tpu.memref_slice %arg5[%dma_wait3A_280, %dma_wait3A_288, %dma_wait3A_289, %dma_wait3A_290] : memref<8x7x64x768xf32, #tpu.memory_space<vmem>> -> memref<1x7x64x768xf32, #tpu.memory_space<vmem>>
    %dma_wait3A_292 = tpu.memref_squeeze %dma_wait3A_291 : memref<1x7x64x768xf32, #tpu.memory_space<vmem>> -> memref<7x64x768xf32, #tpu.memory_space<vmem>>
    tpu.wait_dma2 semaphore(%dma_wait3A_283 : memref<!tpu.dma_semaphore, #tpu.memory_space<semaphore_mem>>) src(%dma_wait3A_292 : memref<7x64x768xf32, #tpu.memory_space<vmem>>) dst(%dma_wait3A_287 : memref<7x64x768xf32, #tpu.memory_space<any>>)
    %div3A_293 = arith.constant 26 : i32
    %div3A_294 = arith.constant 2 : i32
    %div3A_295 = arith.divsi %div3A_293, %div3A_294 : i32
    %rem3A_296 = arith.constant 26 : i32
    %rem3A_297 = arith.constant 2 : i32
    %rem3A_298 = arith.remsi %rem3A_296, %rem3A_297 : i32
    %mul3A_299 = arith.constant 7 : i32
    %mul3A_300 = arith.muli %rem3A_298, %mul3A_299 : i32
    %dma_wait3A_301 = arith.constant 2 : i32
    %dma_wait3A_302 = arith.constant 2 : i32
    %dma_wait3A_303 = tpu.memref_slice %arg7[%dma_wait3A_302] : memref<8x!tpu.dma_semaphore, #tpu.memory_space<semaphore_mem>> -> memref<1x!tpu.dma_semaphore, #tpu.memory_space<semaphore_mem>>
    %dma_wait3A_304 = tpu.memref_squeeze %dma_wait3A_303 : memref<1x!tpu.dma_semaphore, #tpu.memory_space<semaphore_mem>> -> memref<!tpu.dma_semaphore, #tpu.memory_space<semaphore_mem>>
    %dma_wait3A_305 = arith.constant 0 : i32
    %dma_wait3A_306 = arith.constant 0 : i32
    %dma_wait3A_307 = tpu.memref_slice %arg3[%div3A_295, %mul3A_300, %dma_wait3A_305, %dma_wait3A_306] : memref<14x14x64x768xf32, #tpu.memory_space<any>> -> memref<1x7x64x768xf32, #tpu.memory_space<any>>
    %dma_wait3A_308 = tpu.memref_squeeze %dma_wait3A_307 : memref<1x7x64x768xf32, #tpu.memory_space<any>> -> memref<7x64x768xf32, #tpu.memory_space<any>>
    %dma_wait3A_309 = arith.constant 0 : i32
    %dma_wait3A_310 = arith.constant 0 : i32
    %dma_wait3A_311 = arith.constant 0 : i32
    %dma_wait3A_312 = tpu.memref_slice %arg5[%dma_wait3A_301, %dma_wait3A_309, %dma_wait3A_310, %dma_wait3A_311] : memref<8x7x64x768xf32, #tpu.memory_space<vmem>> -> memref<1x7x64x768xf32, #tpu.memory_space<vmem>>
    %dma_wait3A_313 = tpu.memref_squeeze %dma_wait3A_312 : memref<1x7x64x768xf32, #tpu.memory_space<vmem>> -> memref<7x64x768xf32, #tpu.memory_space<vmem>>
    tpu.wait_dma2 semaphore(%dma_wait3A_304 : memref<!tpu.dma_semaphore, #tpu.memory_space<semaphore_mem>>) src(%dma_wait3A_313 : memref<7x64x768xf32, #tpu.memory_space<vmem>>) dst(%dma_wait3A_308 : memref<7x64x768xf32, #tpu.memory_space<any>>)
    %div3A_314 = arith.constant 27 : i32
    %div3A_315 = arith.constant 2 : i32
    %div3A_316 = arith.divsi %div3A_314, %div3A_315 : i32
    %rem3A_317 = arith.constant 27 : i32
    %rem3A_318 = arith.constant 2 : i32
    %rem3A_319 = arith.remsi %rem3A_317, %rem3A_318 : i32
    %mul3A_320 = arith.constant 7 : i32
    %mul3A_321 = arith.muli %rem3A_319, %mul3A_320 : i32
    %dma_wait3A_322 = arith.constant 3 : i32
    %dma_wait3A_323 = arith.constant 3 : i32
    %dma_wait3A_324 = tpu.memref_slice %arg7[%dma_wait3A_323] : memref<8x!tpu.dma_semaphore, #tpu.memory_space<semaphore_mem>> -> memref<1x!tpu.dma_semaphore, #tpu.memory_space<semaphore_mem>>
    %dma_wait3A_325 = tpu.memref_squeeze %dma_wait3A_324 : memref<1x!tpu.dma_semaphore, #tpu.memory_space<semaphore_mem>> -> memref<!tpu.dma_semaphore, #tpu.memory_space<semaphore_mem>>
    %dma_wait3A_326 = arith.constant 0 : i32
    %dma_wait3A_327 = arith.constant 0 : i32
    %dma_wait3A_328 = tpu.memref_slice %arg3[%div3A_316, %mul3A_321, %dma_wait3A_326, %dma_wait3A_327] : memref<14x14x64x768xf32, #tpu.memory_space<any>> -> memref<1x7x64x768xf32, #tpu.memory_space<any>>
    %dma_wait3A_329 = tpu.memref_squeeze %dma_wait3A_328 : memref<1x7x64x768xf32, #tpu.memory_space<any>> -> memref<7x64x768xf32, #tpu.memory_space<any>>
    %dma_wait3A_330 = arith.constant 0 : i32
    %dma_wait3A_331 = arith.constant 0 : i32
    %dma_wait3A_332 = arith.constant 0 : i32
    %dma_wait3A_333 = tpu.memref_slice %arg5[%dma_wait3A_322, %dma_wait3A_330, %dma_wait3A_331, %dma_wait3A_332] : memref<8x7x64x768xf32, #tpu.memory_space<vmem>> -> memref<1x7x64x768xf32, #tpu.memory_space<vmem>>
    %dma_wait3A_334 = tpu.memref_squeeze %dma_wait3A_333 : memref<1x7x64x768xf32, #tpu.memory_space<vmem>> -> memref<7x64x768xf32, #tpu.memory_space<vmem>>
    tpu.wait_dma2 semaphore(%dma_wait3A_325 : memref<!tpu.dma_semaphore, #tpu.memory_space<semaphore_mem>>) src(%dma_wait3A_334 : memref<7x64x768xf32, #tpu.memory_space<vmem>>) dst(%dma_wait3A_329 : memref<7x64x768xf32, #tpu.memory_space<any>>)
    return
  }
}

</mosaic_0001>

<sc_bundles>
// kernel: kernel.4.cloned.1.call-start
scs
__scs_entry_jumppad:
0x0: {  	(pc) =	sbr.rel $0x88, $3  }
0x1: {  	(tag) =	ssettag $0x0;
	lr =	simm.s32 $0x1  }
0x2: {  	[smem:$0x3F9D] =	sst lr;
	_ =	strace $0xD0000000  }
0x3: {  	_ = 	snop  }
0x4: {  	_ = 	snop  }
0x5: {  	_ = 	snop  }
0x6: {  	_ = 	snop  }
0x7: {  	_ = 	snop  }
__scs_overlays_trampoline_lowered:
0x8: {  	[smem:$0x3FAC] =	sst s0  }
0x9: {  	[smem:$0x3FAD] =	sst s1  }
0xa: {  	[smem:$0x3FAE] =	sst s2  }
0xb: {  	[smem:$0x3FAF] =	sst s3  }
0xc: {  	[smem:$0x3FB0] =	sst s4  }
0xd: {  	[smem:$0x3FB1] =	sst s5  }
0xe: {  	[smem:$0x3FB2] =	sst s6  }
0xf: {  	[smem:$0x3FB3] =	sst s7  }
0x10: {  	[smem:$0x3FB4] =	sst s8  }
0x11: {  	[smem:$0x3FB5] =	sst s9;
	s0 =	simm.s32 @!p0 $0x0  }
0x12: {  	s1 =	sld [smem:$0x3F9B];
	s0 =	simm.s32 @p0 $0x1  }
0x13: {  	[smem:$0x3FB6] =	sst s0;
	s0 =	simm.s32 @!p1 $0x0  }
0x14: {  	s2 =	sld [smem:$0x3F9A];
	s0 =	simm.s32 @p1 $0x1  }
0x15: {  	[smem:$0x3FB7] =	sst s0;
	s0 =	simm.s32 @!p2 $0x0  }
0x16: {  	s3 =	sld [smem:$0x3FDB];
	s0 =	simm.s32 @p2 $0x1  }
0x17: {  	s4 =	simm.s32 $0x1BF5;
	[smem:$0x3FB9] =	sst s0  }
0x18: {  	s0 =	sld [smem:$0x3F9C];
	_ =	swait.ge [sflag:s4], $0x0  }
0x19: {  	s7 =	sld [smem:$0x3F9D]  }
0x1a: {  	s8 =	sadd.s32 $0xFFFFE003, lr  }
0x1b: {  	s9 =	sadd.s32 $0xFFFFFEF7, lr;
	s5 =	simm.s32 $0xFFFFFFFF;
	p2 =	slt.u32 s8, $0xFFFFF086  }
0x1c: {  	p1 =	slt.u32 s9, $0xF7A;
	s5 =	simm.s32 @!p2 $0x0  }
0x1d: {  	s5 =	simm.s32 @p1 $0x1;
	p0 =	seq.s32 s7, s2  }
0x1e: {  	s7 =	smul.u32 @!p0 $0xF7A, s2;
	p2 =	seq.s32 @!p0 s5, $0x0  }
0x1f: {  	s9 =	smul.u32 $0xF7A, s1;
	s8 =	simm.s32 @!p0 $0x1BF5;
	p2 =	por !p2, p0  }
0x20: {  	[sflag:s8] =	ssyncset.s32 @!p0 $0xFFFFF086;
	s6 =	sadd.s32 @!p0 s3, s7;
	s7 =	simm.s32 @!p0 $0x108  }
0x21: {  	s3 =	sadd.s32 s3, s9;
	s6 =	sadd.s32 @!p0 $0x88, s6;
	s7 =	simm.s32 @p2 $0x1082  }
0x22: {  	[simem:s7], [sflag:s8] =	dma.local @!p0 [hbm:s6], $0xF7A  }
0x23: {  	s9 =	sor.u32 $0xD0000000, s2;
	s6 =	simm.s32 $0x108;
	_ =	swait.ge @!p0 [sflag:s8], $0x0  }
0x24: {  	s3 =	sadd.s32 $0x88, s3;
	s6 =	simm.s32 @!p1 $0x1082;
	[sflag:s4] =	ssyncset.s32 $0xFFFFF086  }
0x25: {  	[simem:s6], [sflag:s4] =	dma.local [hbm:s3], $0xF7A  }
0x26: {  	[smem:$0x3F9D] =	sst s1;
	(tag) =	ssettag s2;
	_ =	strace s9  }
0x27: {  	s1 =	sld [smem:$0x3FAD]  }
0x28: {  	s2 =	sld [smem:$0x3FAE]  }
0x29: {  	s4 =	sld [smem:$0x3FB0]  }
0x2a: {  	p0 =	seq.s32 s5, $0x0;
	s5 =	sld [smem:$0x3FB1]  }
0x2b: {  	s6 =	sld [smem:$0x3FB2]  }
0x2c: {  	s7 =	sld [smem:$0x3FB3]  }
0x2d: {  	s3 =	simm.s32 $0x108;
	s8 =	sld [smem:$0x3FB4]  }
0x2e: {  	s3 =	simm.s32 @!p0 $0x1082;
	s9 =	sld [smem:$0x3FB5]  }
0x2f: {  	lr =	sadd.s32 s0, s3;
	s0 =	sld [smem:$0x3FAC]  }
0x30: {  	s3 =	sld [smem:$0x3FAF]  }
0x31: {  	[smem:$0x3FB8] =	sst s10  }
0x32: {  	s10 =	sld [smem:$0x3FB6];
	_ =	sdelay $0x3  }
0x33: {  	p0 =	seq.s32 s10, $0x1;
	s10 =	sld [smem:$0x3FB8];
	_ =	sdelay $0x3  }
0x34: {  	[smem:$0x3FB8] =	sst s10  }
0x35: {  	s10 =	sld [smem:$0x3FB7];
	_ =	sdelay $0x3  }
0x36: {  	p1 =	seq.s32 s10, $0x1;
	s10 =	sld [smem:$0x3FB8];
	_ =	sdelay $0x3  }
0x37: {  	[smem:$0x3FB8] =	sst s10  }
0x38: {  	s10 =	sld [smem:$0x3FB9]  }
0x39: {  	_ = 	snop;
	(pc) =	sbr.ind lr, $3  }
0x3a: {  	_ = 	snop  }
0x3b: {  	_ = 	snop  }
0x3c: {  	p2 =	seq.s32 s10, $0x1;
	s10 =	sld [smem:$0x3FB8]  }
0x3d: {  	_ =	shalt  }
0x3e: {  	_ =	shalt  }
0x3f: {  	_ =	shalt  }
0x40: {  	_ =	shalt  }
0x41: {  	_ =	shalt  }
0x42: {  	_ =	shalt  }
0x43: {  	_ =	shalt  }
0x44: {  	_ =	shalt  }
0x45: {  	_ =	shalt  }
0x46: {  	_ =	shalt  }
0x47: {  	_ =	shalt  }
0x48: {  	_ =	shalt  }
0x49: {  	_ =	shalt  }
0x4a: {  	_ =	shalt  }
0x4b: {  	_ =	shalt  }
0x4c: {  	_ =	shalt  }
0x4d: {  	_ =	shalt  }
0x4e: {  	_ =	shalt  }
0x4f: {  	_ =	shalt  }
0x50: {  	_ =	shalt  }
0x51: {  	_ =	shalt  }
0x52: {  	_ =	shalt  }
0x53: {  	_ =	shalt  }
0x54: {  	_ =	shalt  }
0x55: {  	_ =	shalt  }
0x56: {  	_ =	shalt  }
0x57: {  	_ =	shalt  }
0x58: {  	_ =	shalt  }
0x59: {  	_ =	shalt  }
0x5a: {  	_ =	shalt  }
0x5b: {  	_ =	shalt  }
0x5c: {  	_ =	shalt  }
0x5d: {  	_ =	shalt  }
0x5e: {  	_ =	shalt  }
0x5f: {  	_ =	shalt  }
0x60: {  	_ =	shalt  }
0x61: {  	_ =	shalt  }
0x62: {  	_ =	shalt  }
0x63: {  	_ =	shalt  }
0x64: {  	_ =	shalt  }
0x65: {  	_ =	shalt  }
0x66: {  	_ =	shalt  }
0x67: {  	_ =	shalt  }
0x68: {  	_ =	shalt  }
0x69: {  	_ =	shalt  }
0x6a: {  	_ =	shalt  }
0x6b: {  	_ =	shalt  }
0x6c: {  	_ =	shalt  }
0x6d: {  	_ =	shalt  }
0x6e: {  	_ =	shalt  }
0x6f: {  	_ =	shalt  }
0x70: {  	_ =	shalt  }
0x71: {  	_ =	shalt  }
0x72: {  	_ =	shalt  }
0x73: {  	_ =	shalt  }
0x74: {  	_ =	shalt  }
0x75: {  	_ =	shalt  }
0x76: {  	_ =	shalt  }
0x77: {  	_ =	shalt  }
0x78: {  	_ =	shalt  }
0x79: {  	_ =	shalt  }
0x7a: {  	_ =	shalt  }
0x7b: {  	_ =	shalt  }
0x7c: {  	_ =	shalt  }
0x7d: {  	_ =	shalt  }
0x7e: {  	_ =	shalt  }
0x7f: {  	_ =	shalt  }
0x80: {  	_ =	shalt  }
0x81: {  	_ =	shalt  }
0x82: {  	_ =	shalt  }
0x83: {  	_ =	shalt  }
0x84: {  	_ =	shalt  }
0x85: {  	_ =	shalt  }
0x86: {  	_ =	shalt  }
0x87: {  	_ =	shalt  }
.Lfunc_end0:
.L_simem_size_0:
called_computation_lowered:
.L_overlay_start_0:
0x88: {  	s2 =	sld [smem:$0x3FD9]  }
0x89: {  	s3 =	sld [smem:$0x3FFE];
	_ =	sdelay $0x1  }
0x8a: {  	s1 =	srdreg.scid  }
0x8b: {  	s0 =	sand.u32 $0x1, s1  }
0x8c: {  	s17 =	sshll.u32 s0, $0xA;
	s2 =	sadd.s32 s3, s2  }
0x8d: {  	s2 =	sadd.s32 s2, s17  }
0x8e: {  	[smem:$0x3FC4] =	sst s2  }
0x8f: {  	_ = 	snop  }
0x90: {  	s2 =	sld [smem:$0x3FC8]  }
0x91: {  	s18 =	sld [smem:$0x3FC7]  }
0x92: {  	s4 =	sld [smem:$0x3FC6]  }
0x93: {  	s5 =	sld [smem:$0x3FD0];
	(tm) =	ssettm $0x1  }
0x94: {  	s6 =	sld [smem:$0x3FFB];
	_ =	sdelay $0x3  }
0x95: {  	_ =	strace s6  }
0x96: {  	s6 =	sld [smem:$0x3FFC];
	_ =	sdelay $0x3  }
0x97: {  	_ =	strace s6  }
0x98: {  	s6 =	sld [smem:$0x3FFD];
	_ =	sdelay $0x3  }
0x99: {  	_ =	strace s6  }
0x9a: {  	_ =	strace $0x8FFFFFFF  }
0x9b: {  	s19 =	sld [smem:$0x3FDB];
	_ =	sdelay $0x1  }
0x9c: {  	s7 =	simm.s32 $_scs_section_size  }
0x9d: {  	s8 =	simm.s32 $_size__tile_overlayer_lowered;
	s9 =	simm.s32 $_tile_overlayer_lowered  }
0x9e: {  	s22 =	simm.s32 $0x1BFF;
	s21 =	sshll.u32 s9, $0x1;
	s6 =	sadd.s32 s7, s19  }
0x9f: {  	s10 =	simm.s32 $0x0;
	s20 =	sshll.u32 s8, $0x1;
	s8 =	sadd.s32 s21, s6  }
0xa0: {  	[timem:s10], [sflag:s22] =	dma.local [hbm:s8], s20  }
0xa1: {  	_ =	swait.ge [sflag:s22], s20  }
0xa2: {  	s7 =	ssub.s32 $0x0, s20;
	[sflag:s22] =	ssyncset.done $0x0  }
0xa3: {  	[sflag:s22] =	ssyncadd.s32 s7;
	_ =	sdelay $0x1  }
0xa4: {  	s23 =	simm.s32 $0x1B8B  }
0xa5: {  	_ =	swait.ge [sflag:s23], $0x1  }
0xa6: {  	[sflag:s23] =	ssyncset.done $0x0  }
0xa7: {  	s25 =	simm.s32 $0x1B8E;
	s24 =	sld [smem:$0x3FFE];
	[sflag:s23] =	ssyncadd.s32 $0xFFFFFFFF  }
0xa8: {  	s26 =	simm.s32 $execute0_lowered;
	[smem:$0x3FD2] =	sst s25  }
0xa9: {  	s8 =	sshll.u32 s26, $0x1;
	_ =	strace $0x80000046;
	[dreg:$0x1] =	wrdreg $0xFFFFFFFF  }
0xaa: {  	s28 =	simm.s32 $_size_execute0_lowered;
	s6 =	sadd.s32 s6, s8;
	[dreg:$0x0] =	wrdreg $0x0  }
0xab: {  	s8 =	sshll.u32 s28, $0x1;
	[dreg:$0x2] =	wrdreg s6  }
0xac: {  	[dreg:$0x3] =	wrdreg s8  }
0xad: {  	[dreg:$0x4] =	wrdreg $0xC0  }
0xae: {  	_ =	task [dreg:s10], $0x5FFFF  }
0xaf: {  	[dreg:$0x1] =	wrdreg $0xFFFFFFFF  }
0xb0: {  	[dreg:$0x0] =	wrdreg $0x60  }
0xb1: {  	[dreg:$0x2] =	wrdreg s18  }
0xb2: {  	[dreg:$0x3] =	wrdreg s4  }
0xb3: {  	[dreg:$0x4] =	wrdreg s2  }
0xb4: {  	[dreg:$0x5] =	wrdreg s5  }
0xb5: {  	[dreg:$0x6] =	wrdreg s24  }
0xb6: {  	[dreg:$0x7] =	wrdreg $0x9  }
0xb7: {  	_ =	task.clear_ibuf [dreg:s10], $0x8FFFF;
	_ =	strace $0x90000046  }
0xb8: {  	s29 =	simm.s32 $0x9;
	_ =	strace $0x80000048  }
0xb9: {  	_ =	swait.ge [sflag:s29], $0x1  }
0xba: {  	[sflag:s29] =	ssyncadd.s32 $0xFFFFFFFF  }
0xbb: {  	_ =	strace $0x90000048  }
0xbc: {  	_ =	sfence  }
0xbd: {  	s30 =	sld [smem:$0x0];
	_ =	sdelay $0x2  }
0xbe: {  	s31 =	sshll.u32 s1, $0xD;
	s1 =	sshrl.u32 s1, $0x2  }
0xbf: {  	s3 =	sand.u32 $0x4000, s31;
	s1 =	sadd.s32 s1, s30  }
0xc0: {  	s0 =	sor.u32 s3, s0;
	s1 =	sshll.u32 s1, $0x11  }
0xc1: {  	s0 =	sor.u32 s1, s0  }
0xc2: {  	s0 =	sadd.s32 $0x8F2B, s0  }
0xc3: {  	[sflag:s0] =	ssyncadd.remote.s32 $0x1  }
0xc4: {  	_ =	sfence.sel $0xFFFF  }
0xc5: {  	[dreg:$0x0] =	wrdreg $0xFFFFFFFF;
	(pc) =	sbr.abs _section_cstart, $3  }
0xc6: {  	[dreg:$0x1] =	wrdreg $0xFFFFFFFF  }
0xc7: {  	_ =	task.clear_ibuf [dreg:s10], $0x2FFFF;
	_ =	strace $0x9FFFFFFF  }
0xc8: {  	(tm) =	ssettm $0x7FFFFFFF  }
0xc9: {  	_ =	shalt  }
tec
execute0_lowered:
.L_overlay_start_1:
0x0: {  	(tag) =	ssettag $0x1  }
0x1: {  	s1 =	rddreg [dreg:$0x0]  }
0x2: {  	s2 =	rddreg [dreg:$0x1]  }
0x3: {  	s4 =	rddreg [dreg:$0x2]  }
0x4: {  	s0 =	stileid.u32;
	s7 =	rddreg [dreg:$0x3]  }
0x5: {  	s3 =	srdreg.scid;
	s29 =	rddreg [dreg:$0x4]  }
0x6: {  	s9 =	simm.s32 $0x0;
	s6 =	sand.u32 $0x1, s3;
	s3 =	rddreg [dreg:$0x5]  }
0x7: {  	s5 =	sshll.u32 s0, $0x1;
	[smem:$0x7FF] =	sst s9;
	s31 =	sand.u32 $0xC, s0  }
0x8: {  	p0 =	sgt.u32 s0, $0x3;
	s9 =	sadd.s32 $0x200, s2;
	s28 =	sand.u32 $0x6, s5  }
0x9: {  	_ =	strace $0x80000047;
	s5 =	sadd.s32 $0x100, s1;
	s8 =	sor.u32 s6, s28  }
0xa: {  	p1 =	sne.s32 s31, $0x4;
	s6 =	ssub.s32 $0x2, s6;
	s10 =	smul.u32 $0x300, s8  }
0xb: {  	s30 =	sshrl.u32 s6, $0x1;
	s4 =	sadd.s32 s4, s8;
	s8 =	sadd.s32 $0x100, s2  }
0xc: {  	s12 =	ssub.s32 s6, s30;
	s6 =	sadd.s32 $0x200, s1;
	s11 =	sadd.s32 s10, s29  }
0xd: {  	vm0 =	vmmov @!p0 $0xffff;
	vm1 =	vmmov @!p1 $0xffff;
	s7 =	sadd.s32 s7, s10;
	s10 =	sadd.s32 $0xC00, s11;
	s11 =	smax.u32 s12, $0x1  }
.LBB2_1:
0xe: {  	s12 =	simm.s32 @!p0 $0x0;
	s13 =	simm.s32 @!p0 $0x2  }
0xf: {  	[tilespmem:s12], [sflag:$0x2] =	stream.linear.gather @!p0 [hbm4b:s4+s12], $0x8, $0x38;
	[tilespmem:$0x1880] =	vst v63  }
0x10: {  	_ =	swait.ge @!p0 [sflag:s13], $0x8  }
0x11: {  	[sflag:s13] =	ssyncset.done @!p0 $0x0  }
0x12: {  	[sflag:s13] =	ssyncadd.s32 @!p0 $0xFFFFFFF8  }
0x13: {  	v0 =	vld.msk @!p0 [tilespmem:$0x0], $0xff;
	_ =	sdelay $0x4  }
0x14: {  	v1 =	vshrl.u32 @!p0 v0, $0x3  }
0x15: {  	v1 =	vmul.u32 @!p0 $0x30, v1  }
0x16: {  	v2 =	vlaneseq.u32 @!p0;
	v0 =	vand.u32 @!p0 $0x7, v0  }
0x17: {  	v0 =	vor.u32 @!p0 v0, v1;
	v1 =	vand.u32 @!p0 $0x7, v2;
	v2 =	vshrl.u32 @!p0 v2, $0x3  }
0x18: {  	v0 =	vperm.xlane @!p0 v0, v1;
	v1 =	vmul.u32 @!p0 $0x8, v2;
	_ =	sdelay $0x1  }
0x19: {  	v0 =	vadd.s32 @!p0 v1, v0;
	_ =	sdelay $0x3  }
0x1a: {  	s14 =	simm.s32 @!p0 $0x80  }
0x1b: {  	[tilespmem:s14], [sflag:$0x1] =	stream.indirect_vreg.gather @!p0 [hbm4b:s1+s12], $0x80, v0, vm0, $0xb8;
	[tilespmem:$0x1880] =	vst v63  }
0x1c: {  	s15 =	simm.s32 @!p0 $0x880  }
0x1d: {  	[tilespmem:s15], [sflag:$0x1] =	stream.indirect_vreg.gather @!p0 [hbm4b:s5+s12], $0x80, v0, vm0, $0xb8;
	[tilespmem:$0x1880] =	vst v63  }
0x1e: {  	s15 =	simm.s32 @!p0 $0x1080  }
0x1f: {  	[tilespmem:s15], [sflag:$0x1] =	stream.indirect_vreg.gather @!p0 [hbm4b:s6+s12], $0x80, v0, vm0, $0xb8;
	[tilespmem:$0x1880] =	vst v63  }
0x20: {  	s15 =	simm.s32 @!p0 $0x1  }
0x21: {  	_ =	swait.ge @!p0 [sflag:s15], $0x1800  }
0x22: {  	[sflag:s15] =	ssyncset.done @!p0 $0x0  }
0x23: {  	[sflag:s15] =	ssyncadd.s32 @!p0 $0xFFFFE800  }
0x24: {  	[hbm4b:s7+s12] =	stream.linear.scatter @!p0 [tilespmem:s14], [sflag:$0x2], $0x1800, $0x38;
	[tilespmem:$0x1880] =	vst v63  }
0x25: {  	_ =	swait.ge @!p0 [sflag:s13], $0x1800  }
0x26: {  	[sflag:s13] =	ssyncset.done @!p0 $0x0  }
0x27: {  	s12 =	simm.s32 @!p1 $0x0;
	[sflag:s13] =	ssyncadd.s32 @!p0 $0xFFFFE800;
	s13 =	simm.s32 @!p1 $0x2  }
0x28: {  	[tilespmem:s12], [sflag:$0x2] =	stream.linear.gather @!p1 [hbm4b:s4+s12], $0x8, $0x38;
	[tilespmem:$0x1880] =	vst v63  }
0x29: {  	_ =	swait.ge @!p1 [sflag:s13], $0x8  }
0x2a: {  	[sflag:s13] =	ssyncset.done @!p1 $0x0  }
0x2b: {  	[sflag:s13] =	ssyncadd.s32 @!p1 $0xFFFFFFF8  }
0x2c: {  	v0 =	vld.msk @!p1 [tilespmem:$0x0], $0xff;
	_ =	sdelay $0x4  }
0x2d: {  	v1 =	vshrl.u32 @!p1 v0, $0x3  }
0x2e: {  	v1 =	vmul.u32 @!p1 $0x30, v1  }
0x2f: {  	v2 =	vlaneseq.u32 @!p1;
	v0 =	vand.u32 @!p1 $0x7, v0  }
0x30: {  	v0 =	vor.u32 @!p1 v0, v1;
	v1 =	vand.u32 @!p1 $0x7, v2;
	v2 =	vshrl.u32 @!p1 v2, $0x3  }
0x31: {  	v0 =	vperm.xlane @!p1 v0, v1;
	v1 =	vmul.u32 @!p1 $0x8, v2;
	_ =	sdelay $0x1  }
0x32: {  	v0 =	vadd.s32 @!p1 v1, v0;
	_ =	sdelay $0x3  }
0x33: {  	s14 =	simm.s32 @!p1 $0x80  }
0x34: {  	[tilespmem:s14], [sflag:$0x1] =	stream.indirect_vreg.gather @!p1 [hbm4b:s2+s12], $0x80, v0, vm1, $0xb8;
	[tilespmem:$0x1880] =	vst v63  }
0x35: {  	s15 =	simm.s32 @!p1 $0x880  }
0x36: {  	[tilespmem:s15], [sflag:$0x1] =	stream.indirect_vreg.gather @!p1 [hbm4b:s8+s12], $0x80, v0, vm1, $0xb8;
	[tilespmem:$0x1880] =	vst v63  }
0x37: {  	s15 =	simm.s32 @!p1 $0x1080  }
0x38: {  	[tilespmem:s15], [sflag:$0x1] =	stream.indirect_vreg.gather @!p1 [hbm4b:s9+s12], $0x80, v0, vm1, $0xb8;
	[tilespmem:$0x1880] =	vst v63  }
0x39: {  	s15 =	simm.s32 @!p1 $0x1  }
0x3a: {  	s11 =	sadd.s32 $0xFFFFFFFF, s11;
	_ =	swait.ge @!p1 [sflag:s15], $0x1800  }
0x3b: {  	p2 =	sne.s32 s11, $0x0;
	[sflag:s15] =	ssyncset.done @!p1 $0x0  }
.Ltmp0:
0x3c: {  	[sflag:s15] =	ssyncadd.s32 @!p1 $0xFFFFE800;
	(pc) =	sbr.rel @p2 .LBB2_1-.Ltmp0, $4  }
0x3d: {  	[hbm4b:s10+s12] =	stream.linear.scatter @!p1 [tilespmem:s14], [sflag:$0x2], $0x1800, $0x38;
	[tilespmem:$0x1880] =	vst v63  }
0x3e: {  	_ =	swait.ge @!p1 [sflag:s13], $0x1800  }
0x3f: {  	[sflag:s13] =	ssyncset.done @!p1 $0x0  }
0x40: {  	[sflag:s13] =	ssyncadd.s32 @!p1 $0xFFFFE800  }
0x41: {  	_ =	sfence.sel $0x180000  }
0x42: {  	[bflag:$0x0] =	sbarrier.arrive $0xFFFF  }
0x43: {  	p0 =	sne.s32 s0, $0x0;
	_ =	strace $0x90000047  }
0x44: {  	s0 =	sadd.s32 @!p0 $0x100000, s3;
	[bflag:$0x2] =	sbarrier.arrive $0xFFFF  }
0x45: {  	[sflag:s0] =	ssyncadd.tile.s32 @!p0 $0x1;
	_ =	shalt  }
.Lfunc_end2:
_tile_overlayer_lowered:
.L_overlay_start_2:
0x46: {  	(tag) =	ssettag $0x2  }
0x47: {  	s0 =	rddreg [dreg:$0x0];
	s2 =	stileid.u32  }
0x48: {  	s1 =	rddreg [dreg:$0x1];
	p0 =	sne.s32 s2, $0x0  }
0x49: {  	s3 =	rddreg [dreg:$0x2];
	[bflag:$0x3] =	sbarrier.arrive $0xFFFF;
	s2 =	simm.s32 @!p0 $0x1C02  }
0x4a: {  	[timem:s3], [sflag:s2] =	dma.local @!p0 [hbm:s0], s1  }
0x4b: {  	s0 =	simm.s32 @!p0 $0x2  }
0x4c: {  	_ =	swait.ge @!p0 [sflag:s0], s1  }
0x4d: {  	s1 =	ssub.s32 @!p0 $0x0, s1;
	[sflag:s0] =	ssyncset.done @!p0 $0x0  }
0x4e: {  	[sflag:s0] =	ssyncadd.s32 @!p0 s1  }
0x4f: {  	[bflag:$0x3] =	sbarrier.arrive $0xFFFF  }
0x50: {  	_ =	shalt  }

</sc_bundles>
